<compile_context>
chip_gen: v7x
topology: tpu7x:2x2x1
jax: 0.10.2.dev20260603
libtpu: 0.0.44.dev20260713+nightly
codegen_flags: <defaults>
</compile_context>

<pallas_src>
import jax
import jax.numpy as jnp
from jax import lax
from jax.experimental import pallas as pl
from jax.experimental.pallas import tpu as pltpu
from jax.experimental.pallas import tpu_sc as plsc

N = 10000
DIN = 128
DH = 256
NPAD = 10112
RPT = NPAD // 16
E = 320000
CH = 128
CH1 = 64
EPAD = 327680
C1 = EPAD // (32 * CH1)
C3 = EPAD // (16 * CH)
IB1 = 32
IB3 = 40

_f32 = jnp.float32


def _mesh():
    return plsc.VectorSubcoreMesh(core_axis_name="c", subcore_axis_name="s")


def _pipelined_block(table, src_v, dst_v, acc, b0, b1,
                     sg0, sg1, ss0, ss1, nch):

    def pair(j, carry):
        i0 = 2 * j
        g0 = pltpu.async_copy(table.at[src_v.at[i0]], b0, sg0)
        g1 = pltpu.async_copy(table.at[src_v.at[i0 + 1]], b1, sg1)
        g0.wait()
        s0 = pltpu.async_copy(b0, acc.at[dst_v.at[i0]], ss0, add=True)
        g1.wait()
        s1 = pltpu.async_copy(b1, acc.at[dst_v.at[i0 + 1]], ss1, add=True)
        s0.wait()
        s1.wait()
        return carry

    lax.fori_loop(0, nch // 2, pair, 0)



DE = 144


def _gin_body(xe_hbm, srcb, dstb, zr, agg_out,
              src_v, dst_v, b0, b1, acc, sg0, sg1, ss0, ss1):
    c = lax.axis_index("c")
    s = lax.axis_index("s")
    wid = s * 2 + c
    base = s * RPT
    pltpu.sync_copy(zr, acc.at[pl.ds(base, RPT)])
    plsc.subcore_barrier()

    def block(bk, carry):
        pltpu.sync_copy(srcb.at[wid, pl.ds(bk * IB1, IB1)], src_v)
        pltpu.sync_copy(dstb.at[wid, pl.ds(bk * IB1, IB1)], dst_v)
        _pipelined_block(xe_hbm, src_v, dst_v, acc, b0, b1,
                         sg0, sg1, ss0, ss1, IB1)
        return carry

    lax.fori_loop(0, C1 // IB1, block, 0)
    plsc.subcore_barrier()
    pltpu.sync_copy(acc.at[pl.ds(base, RPT)], agg_out.at[c, pl.ds(base, RPT)])


_gin_call = pl.kernel(
    _gin_body,
    out_type=jax.ShapeDtypeStruct((2, NPAD, DE), _f32),
    mesh=_mesh(),
    scratch_types=[
        pltpu.VMEM((IB1, CH1), jnp.int32),
        pltpu.VMEM((IB1, CH1), jnp.int32),
        pltpu.VMEM((CH1, DE), _f32),
        pltpu.VMEM((CH1, DE), _f32),
        pltpu.VMEM_SHARED((NPAD, DE), _f32),
        pltpu.SemaphoreType.DMA,
        pltpu.SemaphoreType.DMA,
        pltpu.SemaphoreType.DMA,
        pltpu.SemaphoreType.DMA,
    ],
    compiler_params=pltpu.CompilerParams(use_tc_tiling_on_sc=False),
)



def _gcn_body(y_hbm, srcb, dstb, zr, s_out,
              src_v, dst_v, b0, b1, acc, sg0, sg1, ss0, ss1):
    c = lax.axis_index("c")
    s = lax.axis_index("s")
    base = s * RPT
    pltpu.sync_copy(zr, acc.at[pl.ds(base, RPT)])
    plsc.subcore_barrier()

    def block(bk, carry):
        pltpu.sync_copy(srcb.at[c, s, pl.ds(bk * IB3, IB3)], src_v)
        pltpu.sync_copy(dstb.at[s, pl.ds(bk * IB3, IB3)], dst_v)
        _pipelined_block(y_hbm, src_v, dst_v, acc, b0, b1,
                         sg0, sg1, ss0, ss1, IB3)
        return carry

    lax.fori_loop(0, C3 // IB3, block, 0)
    plsc.subcore_barrier()
    pltpu.sync_copy(acc.at[pl.ds(base, RPT)], s_out.at[c, pl.ds(base, RPT)])


_bf16 = jnp.bfloat16

_gcn_call = pl.kernel(
    _gcn_body,
    out_type=jax.ShapeDtypeStruct((2, NPAD, 128), _bf16),
    mesh=_mesh(),
    scratch_types=[
        pltpu.VMEM((IB3, CH), jnp.int32),
        pltpu.VMEM((IB3, CH), jnp.int32),
        pltpu.VMEM((CH, 128), _bf16),
        pltpu.VMEM((CH, 128), _bf16),
        pltpu.VMEM_SHARED((NPAD, 128), _bf16),
        pltpu.SemaphoreType.DMA,
        pltpu.SemaphoreType.DMA,
        pltpu.SemaphoreType.DMA,
        pltpu.SemaphoreType.DMA,
    ],
    compiler_params=pltpu.CompilerParams(use_tc_tiling_on_sc=False),
)



def _dense_body(x_ref, agg_ref, W1_ref, b1_ref, g_ref, be_ref,
                W2_ref, b2_ref, Wc_ref, y_ref, dinv_ref):
    x = x_ref[...]
    a = x + agg_ref[0, :N, :DIN] + agg_ref[1, :N, :DIN]
    h = jnp.dot(a, W1_ref[...], preferred_element_type=_f32) + b1_ref[...]
    m = jnp.mean(h, axis=0, keepdims=True)
    d0 = h - m
    v = jnp.mean(d0 * d0, axis=0, keepdims=True)
    h = d0 * lax.rsqrt(v + 1e-5) * g_ref[...] + be_ref[...]
    h = jnp.maximum(h, 0.0)
    h = jnp.maximum(jnp.dot(h, W2_ref[...], preferred_element_type=_f32)
                    + b2_ref[...], 0.0)
    xw = jnp.dot(h, Wc_ref[...], preferred_element_type=_f32)
    dg = (agg_ref[0, :N, DIN:DIN + 1] + agg_ref[1, :N, DIN:DIN + 1]) + 1.0
    dinv = lax.rsqrt(dg)
    y = (xw * dinv).astype(jnp.bfloat16)
    y_ref[0, :N, :] = y[:, :128]
    y_ref[1, :N, :] = y[:, 128:]
    dinv_ref[...] = jnp.broadcast_to(dinv, (N, 128))


def _dense_call(x, agg, W1, b1, gamma, beta, W2, b2, Wc):
    return pl.pallas_call(
        _dense_body,
        out_shape=[jax.ShapeDtypeStruct((2, NPAD, 128), jnp.bfloat16),
                   jax.ShapeDtypeStruct((N, 128), _f32)],
    )(x, agg, W1, b1, gamma, beta, W2, b2, Wc)



def _final_body(s_ref, y_ref, dinv_ref, bmu_ref, bls_ref, mu_ref, ls_ref):
    dinv = dinv_ref[...]
    mu_ref[...] = ((s_ref[0, :N, :].astype(_f32)
                    + y_ref[0, :N, :].astype(_f32)) * dinv + bmu_ref[...])
    ls_ref[...] = ((s_ref[1, :N, :].astype(_f32)
                    + y_ref[1, :N, :].astype(_f32)) * dinv + bls_ref[...])


def _final_call(s_out, ycat, dinvb, bmu, bls):
    return pl.pallas_call(
        _final_body,
        out_shape=[jax.ShapeDtypeStruct((N, 128), _f32),
                   jax.ShapeDtypeStruct((N, 128), _f32)],
    )(s_out, ycat, dinvb, bmu, bls)



def kernel(x, edge_index, W1, b1, gamma, beta, W2, b2, Wmu, bmu, Wls, bls):
    src = edge_index[0]
    dst = edge_index[1]
    npad = EPAD - E
    ar = jnp.arange(npad, dtype=jnp.int32)
    src_p = jnp.concatenate([src, (ar * 997) % N])
    dst_p = jnp.concatenate([dst, N + (ar % (NPAD - N))])
    srcb1 = src_p.reshape(32, C1, CH1)
    dstb1 = dst_p.reshape(32, C1, CH1)
    src3 = jnp.stack([src_p, src_p + NPAD]).reshape(2, 16, C3, CH)
    dst3 = dst_p.reshape(16, C3, CH)
    zrows = jnp.zeros((RPT, 128), jnp.bfloat16)
    zrowse = jnp.zeros((RPT, DE), _f32)
    xe = jnp.concatenate(
        [x, jnp.ones((N, 1), _f32), jnp.zeros((N, DE - DIN - 1), _f32)],
        axis=1)

    agg = _gin_call(xe, srcb1, dstb1, zrowse)
    ycat, dinvb = _dense_call(
        x, agg, W1, b1.reshape(1, DH), gamma.reshape(1, DH),
        beta.reshape(1, DH), W2, b2.reshape(1, DH),
        jnp.concatenate([Wmu, Wls], axis=1))
    s_out = _gcn_call(ycat.reshape(2 * NPAD, 128), src3, dst3, zrows)
    mu, ls = _final_call(s_out, ycat, dinvb,
                         bmu.reshape(1, 128), bls.reshape(1, 128))
    return (mu, ls)

# --- scband reference (transcript-rebuilt; emitter-appended) ---
"""Pipeline reference for scband-encoder-25580825215780 (READ-ONLY COPY).

The authoritative reference and input builder live on the scoring server;
editing this copy changes nothing except your own understanding.
"""

import jax, jax.numpy as jnp
import numpy as np

N = 10000
E = 320000
DIN = 128
DOUT = 128
DH = 2 * DOUT


def setup_inputs(seed: int = 0) -> dict:
    key = jax.random.key(seed)
    ks = jax.random.split(key, 14)
    x = jax.random.normal(ks[0], (N, DIN), dtype=jnp.float32)
    edge_index = jax.random.randint(ks[1], (2, E), 0, N, dtype=jnp.int32)
    s = 0.05
    W1 = jax.random.normal(ks[2], (DIN, DH), dtype=jnp.float32) * s
    b1 = jnp.zeros((DH,), jnp.float32)
    gamma = jnp.ones((DH,), jnp.float32)
    beta = jnp.zeros((DH,), jnp.float32)
    W2 = jax.random.normal(ks[3], (DH, DH), dtype=jnp.float32) * s
    b2 = jnp.zeros((DH,), jnp.float32)
    Wmu = jax.random.normal(ks[4], (DH, DOUT), dtype=jnp.float32) * s
    bmu = jnp.zeros((DOUT,), jnp.float32)
    Wls = jax.random.normal(ks[5], (DH, DOUT), dtype=jnp.float32) * s
    bls = jnp.zeros((DOUT,), jnp.float32)
    return {"x": x, "edge_index": edge_index, "W1": W1, "b1": b1,
            "gamma": gamma, "beta": beta, "W2": W2, "b2": b2,
            "Wmu": Wmu, "bmu": bmu, "Wls": Wls, "bls": bls}


def reference(x, edge_index, W1, b1, gamma, beta, W2, b2, Wmu, bmu, Wls, bls):
    src = edge_index[0]
    dst = edge_index[1]
    # ---- GINConv (eps=0): h_i = MLP(x_i + sum_{j->i} x_j) ----
    agg = jnp.zeros_like(x).at[dst].add(x[src])
    h = x + agg
    h = h @ W1 + b1
    # BatchNorm1d (training-mode batch statistics, eps=1e-5)
    mean = jnp.mean(h, axis=0)
    var = jnp.var(h, axis=0)
    h = (h - mean) / jnp.sqrt(var + 1e-5) * gamma + beta
    h = jax.nn.relu(h)
    h = h @ W2 + b2
    h = jax.nn.relu(h)
    # outer .relu() in forward (idempotent but kept faithful)
    h = jax.nn.relu(h)
    # ---- GCNConv with added self-loops and symmetric normalization ----
    n = h.shape[0]
    loop = jnp.arange(n, dtype=src.dtype)
    src_f = jnp.concatenate([src, loop])
    dst_f = jnp.concatenate([dst, loop])
    deg = jnp.zeros((n,), h.dtype).at[dst_f].add(1.0)
    dinv = jnp.where(deg > 0, 1.0 / jnp.sqrt(deg), 0.0)
    norm = dinv[src_f] * dinv[dst_f]

    def gcn(hin, W, b):
        xw = hin @ W
        msg = xw[src_f] * norm[:, None]
        out = jnp.zeros((n, W.shape[1]), hin.dtype).at[dst_f].add(msg)
        return out + b

    mu = gcn(h, Wmu, bmu)
    logstd = gcn(h, Wls, bls)
    return (mu, logstd)

if __name__ == "__main__":
    import jax
    _d = setup_inputs()
    print(jax.jit(kernel)(*tuple(_d.values())))

</pallas_src>

<mosaic_0001>
#map = affine_map<(d0, d1) -> (0, 0)>
#map1 = affine_map<(d0, d1) -> (0, 0, 0)>
module attributes {stable_mosaic.version = 14 : i64} {
  func.func @_gin_body(%arg0: i32, %arg1: i32, %arg2: memref<10000x144xf32, #tpu.memory_space<hbm>>, %arg3: memref<32x160x64xi32, #tpu.memory_space<hbm>>, %arg4: memref<32x160x64xi32, #tpu.memory_space<hbm>>, %arg5: memref<632x144xf32, #tpu.memory_space<hbm>>, %arg6: memref<2x10112x144xf32, #tpu.memory_space<hbm>>, %arg7: memref<32x64xi32, #tpu.memory_space<vmem>>, %arg8: memref<32x64xi32, #tpu.memory_space<vmem>>, %arg9: memref<64x144xf32, #tpu.memory_space<vmem>>, %arg10: memref<64x144xf32, #tpu.memory_space<vmem>>, %arg11: memref<10112x144xf32, #tpu.memory_space<vmem_shared>>, %arg12: memref<!tpu.dma_semaphore, #tpu.memory_space<semaphore_mem>>, %arg13: memref<!tpu.dma_semaphore, #tpu.memory_space<semaphore_mem>>, %arg14: memref<!tpu.dma_semaphore, #tpu.memory_space<semaphore_mem>>, %arg15: memref<!tpu.dma_semaphore, #tpu.memory_space<semaphore_mem>>) attributes {dimension_semantics = [#tpu.dimension_semantics<core_parallel>, #tpu.dimension_semantics<subcore_parallel>], iteration_bounds = array<i64: 2, 16>, scalar_prefetch = 0 : i64, scratch_operands = 9 : i64, tpu.core_type = #tpu.core_type<sc_vector_subcore>, window_params = [{transform_indices = #map}, {transform_indices = #map1}, {transform_indices = #map1}, {transform_indices = #map}, {transform_indices = #map1}]} {
    %mul3A = arith.constant 2 : i32
    %mul3A_0 = arith.muli %arg1, %mul3A : i32
    %add3A = arith.addi %mul3A_0, %arg0 : i32
    %mul3A_1 = arith.constant 632 : i32
    %mul3A_2 = arith.muli %arg1, %mul3A_1 : i32
    "tpu.region"() ({
      %run_scoped3A = tpu.sem_alloc : memref<!tpu.dma_semaphore, #tpu.memory_space<semaphore_mem>>
      %dma_start3A = arith.constant 0 : i32
      %dma_start3A_9 = tpu.memref_slice %arg11[%mul3A_2, %dma_start3A] : memref<10112x144xf32, #tpu.memory_space<vmem_shared>> -> memref<632x144xf32, #tpu.memory_space<vmem_shared>>
      tpu.enqueue_dma source(%arg5 : memref<632x144xf32, #tpu.memory_space<hbm>>) target(%dma_start3A_9 : memref<632x144xf32, #tpu.memory_space<vmem_shared>>) target_semaphore(%run_scoped3A : memref<!tpu.dma_semaphore, #tpu.memory_space<semaphore_mem>>)
      %dma_wait3A = arith.constant 0 : i32
      %dma_wait3A_10 = tpu.memref_slice %arg11[%mul3A_2, %dma_wait3A] : memref<10112x144xf32, #tpu.memory_space<vmem_shared>> -> memref<632x144xf32, #tpu.memory_space<vmem_shared>>
      tpu.wait_dma2 semaphore(%run_scoped3A : memref<!tpu.dma_semaphore, #tpu.memory_space<semaphore_mem>>) src(%arg5 : memref<632x144xf32, #tpu.memory_space<hbm>>) dst(%dma_wait3A_10 : memref<632x144xf32, #tpu.memory_space<vmem_shared>>)
      tpu.yield
    }) : () -> ()
    %barrier3A = arith.constant 0 : index
    tpu.barrier barrier_id(%barrier3A)
    %scan3A = arith.constant 0 : i32
    %scan3A_3 = arith.constant 0 : i32
    %scan3A_4 = arith.constant 5 : i32
    %scan3A_5 = arith.addi %scan3A_3, %scan3A_4 : i32
    %scan3A_6 = arith.constant 1 : i32
    scf.for %scan3A_9 = %scan3A_3 to %scan3A_5 step %scan3A_6  : i32 {
      %mul3A_10 = arith.constant 32 : i32
      %mul3A_11 = arith.muli %scan3A_9, %mul3A_10 : i32
      "tpu.region"() ({
        %run_scoped3A = tpu.sem_alloc : memref<!tpu.dma_semaphore, #tpu.memory_space<semaphore_mem>>
        %dma_start3A = arith.constant 0 : i32
        %dma_start3A_20 = tpu.memref_slice %arg3[%add3A, %mul3A_11, %dma_start3A] : memref<32x160x64xi32, #tpu.memory_space<hbm>> -> memref<1x32x64xi32, #tpu.memory_space<hbm>>
        %dma_start3A_21 = tpu.memref_squeeze %dma_start3A_20 : memref<1x32x64xi32, #tpu.memory_space<hbm>> -> memref<32x64xi32, #tpu.memory_space<hbm>>
        %dma_start3A_22 = arith.constant 0 : i32
        %dma_start3A_23 = tpu.memref_slice %arg3[%add3A, %mul3A_11, %dma_start3A_22] : memref<32x160x64xi32, #tpu.memory_space<hbm>> -> memref<1x32x64xi32, #tpu.memory_space<hbm>>
        %dma_start3A_24 = tpu.memref_squeeze %dma_start3A_23 : memref<1x32x64xi32, #tpu.memory_space<hbm>> -> memref<32x64xi32, #tpu.memory_space<hbm>>
        tpu.enqueue_dma source(%dma_start3A_24 : memref<32x64xi32, #tpu.memory_space<hbm>>) target(%arg7 : memref<32x64xi32, #tpu.memory_space<vmem>>) target_semaphore(%run_scoped3A : memref<!tpu.dma_semaphore, #tpu.memory_space<semaphore_mem>>)
        %dma_wait3A = arith.constant 0 : i32
        %dma_wait3A_25 = tpu.memref_slice %arg3[%add3A, %mul3A_11, %dma_wait3A] : memref<32x160x64xi32, #tpu.memory_space<hbm>> -> memref<1x32x64xi32, #tpu.memory_space<hbm>>
        %dma_wait3A_26 = tpu.memref_squeeze %dma_wait3A_25 : memref<1x32x64xi32, #tpu.memory_space<hbm>> -> memref<32x64xi32, #tpu.memory_space<hbm>>
        %dma_wait3A_27 = arith.constant 0 : i32
        %dma_wait3A_28 = tpu.memref_slice %arg3[%add3A, %mul3A_11, %dma_wait3A_27] : memref<32x160x64xi32, #tpu.memory_space<hbm>> -> memref<1x32x64xi32, #tpu.memory_space<hbm>>
        %dma_wait3A_29 = tpu.memref_squeeze %dma_wait3A_28 : memref<1x32x64xi32, #tpu.memory_space<hbm>> -> memref<32x64xi32, #tpu.memory_space<hbm>>
        tpu.wait_dma2 semaphore(%run_scoped3A : memref<!tpu.dma_semaphore, #tpu.memory_space<semaphore_mem>>) src(%dma_wait3A_29 : memref<32x64xi32, #tpu.memory_space<hbm>>) dst(%arg7 : memref<32x64xi32, #tpu.memory_space<vmem>>)
        tpu.yield
      }) : () -> ()
      %mul3A_12 = arith.constant 32 : i32
      %mul3A_13 = arith.muli %scan3A_9, %mul3A_12 : i32
      "tpu.region"() ({
        %run_scoped3A = tpu.sem_alloc : memref<!tpu.dma_semaphore, #tpu.memory_space<semaphore_mem>>
        %dma_start3A = arith.constant 0 : i32
        %dma_start3A_20 = tpu.memref_slice %arg4[%add3A, %mul3A_13, %dma_start3A] : memref<32x160x64xi32, #tpu.memory_space<hbm>> -> memref<1x32x64xi32, #tpu.memory_space<hbm>>
        %dma_start3A_21 = tpu.memref_squeeze %dma_start3A_20 : memref<1x32x64xi32, #tpu.memory_space<hbm>> -> memref<32x64xi32, #tpu.memory_space<hbm>>
        %dma_start3A_22 = arith.constant 0 : i32
        %dma_start3A_23 = tpu.memref_slice %arg4[%add3A, %mul3A_13, %dma_start3A_22] : memref<32x160x64xi32, #tpu.memory_space<hbm>> -> memref<1x32x64xi32, #tpu.memory_space<hbm>>
        %dma_start3A_24 = tpu.memref_squeeze %dma_start3A_23 : memref<1x32x64xi32, #tpu.memory_space<hbm>> -> memref<32x64xi32, #tpu.memory_space<hbm>>
        tpu.enqueue_dma source(%dma_start3A_24 : memref<32x64xi32, #tpu.memory_space<hbm>>) target(%arg8 : memref<32x64xi32, #tpu.memory_space<vmem>>) target_semaphore(%run_scoped3A : memref<!tpu.dma_semaphore, #tpu.memory_space<semaphore_mem>>)
        %dma_wait3A = arith.constant 0 : i32
        %dma_wait3A_25 = tpu.memref_slice %arg4[%add3A, %mul3A_13, %dma_wait3A] : memref<32x160x64xi32, #tpu.memory_space<hbm>> -> memref<1x32x64xi32, #tpu.memory_space<hbm>>
        %dma_wait3A_26 = tpu.memref_squeeze %dma_wait3A_25 : memref<1x32x64xi32, #tpu.memory_space<hbm>> -> memref<32x64xi32, #tpu.memory_space<hbm>>
        %dma_wait3A_27 = arith.constant 0 : i32
        %dma_wait3A_28 = tpu.memref_slice %arg4[%add3A, %mul3A_13, %dma_wait3A_27] : memref<32x160x64xi32, #tpu.memory_space<hbm>> -> memref<1x32x64xi32, #tpu.memory_space<hbm>>
        %dma_wait3A_29 = tpu.memref_squeeze %dma_wait3A_28 : memref<1x32x64xi32, #tpu.memory_space<hbm>> -> memref<32x64xi32, #tpu.memory_space<hbm>>
        tpu.wait_dma2 semaphore(%run_scoped3A : memref<!tpu.dma_semaphore, #tpu.memory_space<semaphore_mem>>) src(%dma_wait3A_29 : memref<32x64xi32, #tpu.memory_space<hbm>>) dst(%arg8 : memref<32x64xi32, #tpu.memory_space<vmem>>)
        tpu.yield
      }) : () -> ()
      %scan3A_14 = arith.constant 0 : i32
      %scan3A_15 = arith.constant 0 : i32
      %scan3A_16 = arith.constant 16 : i32
      %scan3A_17 = arith.addi %scan3A_15, %scan3A_16 : i32
      %scan3A_18 = arith.constant 1 : i32
      scf.for %scan3A_20 = %scan3A_15 to %scan3A_17 step %scan3A_18  : i32 {
        %mul3A_21 = arith.constant 2 : i32
        %mul3A_22 = arith.muli %mul3A_21, %scan3A_20 : i32
        %dma_start3A = arith.constant 0 : i32
        %dma_start3A_23 = tpu.memref_slice %arg7[%mul3A_22, %dma_start3A] : memref<32x64xi32, #tpu.memory_space<vmem>> -> memref<1x64xi32, #tpu.memory_space<vmem>>
        %dma_start3A_24 = tpu.memref_squeeze %dma_start3A_23 : memref<1x64xi32, #tpu.memory_space<vmem>> -> memref<64xi32, #tpu.memory_space<vmem>>
        %dma_start3A_25 = arith.constant 0 : i32
        %dma_start3A_26 = arith.constant 0 : i32
        %dma_start3A_27 = tpu.memref_slice %arg2[%dma_start3A_25, %dma_start3A_26] : memref<10000x144xf32, #tpu.memory_space<hbm>> -> memref<10000x144xf32, #tpu.memory_space<hbm>>
        tpu.enqueue_indirect_dma source(%dma_start3A_27 : memref<10000x144xf32, #tpu.memory_space<hbm>>) target(%arg9 : memref<64x144xf32, #tpu.memory_space<vmem>>) offsets(%dma_start3A_24 : memref<64xi32, #tpu.memory_space<vmem>>) semaphore(%arg12 : memref<!tpu.dma_semaphore, #tpu.memory_space<semaphore_mem>>)
        %add3A_28 = arith.constant 1 : i32
        %add3A_29 = arith.addi %mul3A_22, %add3A_28 : i32
        %dma_start3A_30 = arith.constant 0 : i32
        %dma_start3A_31 = tpu.memref_slice %arg7[%add3A_29, %dma_start3A_30] : memref<32x64xi32, #tpu.memory_space<vmem>> -> memref<1x64xi32, #tpu.memory_space<vmem>>
        %dma_start3A_32 = tpu.memref_squeeze %dma_start3A_31 : memref<1x64xi32, #tpu.memory_space<vmem>> -> memref<64xi32, #tpu.memory_space<vmem>>
        %dma_start3A_33 = arith.constant 0 : i32
        %dma_start3A_34 = arith.constant 0 : i32
        %dma_start3A_35 = tpu.memref_slice %arg2[%dma_start3A_33, %dma_start3A_34] : memref<10000x144xf32, #tpu.memory_space<hbm>> -> memref<10000x144xf32, #tpu.memory_space<hbm>>
        tpu.enqueue_indirect_dma source(%dma_start3A_35 : memref<10000x144xf32, #tpu.memory_space<hbm>>) target(%arg10 : memref<64x144xf32, #tpu.memory_space<vmem>>) offsets(%dma_start3A_32 : memref<64xi32, #tpu.memory_space<vmem>>) semaphore(%arg13 : memref<!tpu.dma_semaphore, #tpu.memory_space<semaphore_mem>>)
        %dma_wait3A = arith.constant 0 : i32
        %dma_wait3A_36 = tpu.memref_slice %arg7[%mul3A_22, %dma_wait3A] : memref<32x64xi32, #tpu.memory_space<vmem>> -> memref<1x64xi32, #tpu.memory_space<vmem>>
        %dma_wait3A_37 = tpu.memref_squeeze %dma_wait3A_36 : memref<1x64xi32, #tpu.memory_space<vmem>> -> memref<64xi32, #tpu.memory_space<vmem>>
        %dma_wait3A_38 = arith.constant 0 : i32
        %dma_wait3A_39 = arith.constant 0 : i32
        %dma_wait3A_40 = tpu.memref_slice %arg2[%dma_wait3A_38, %dma_wait3A_39] : memref<10000x144xf32, #tpu.memory_space<hbm>> -> memref<10000x144xf32, #tpu.memory_space<hbm>>
        tpu.wait_indirect_dma semaphore(%arg12 : memref<!tpu.dma_semaphore, #tpu.memory_space<semaphore_mem>>) src(%dma_wait3A_40 : memref<10000x144xf32, #tpu.memory_space<hbm>>) dst(%arg9 : memref<64x144xf32, #tpu.memory_space<vmem>>)
        %dma_start3A_41 = arith.constant 0 : i32
        %dma_start3A_42 = tpu.memref_slice %arg8[%mul3A_22, %dma_start3A_41] : memref<32x64xi32, #tpu.memory_space<vmem>> -> memref<1x64xi32, #tpu.memory_space<vmem>>
        %dma_start3A_43 = tpu.memref_squeeze %dma_start3A_42 : memref<1x64xi32, #tpu.memory_space<vmem>> -> memref<64xi32, #tpu.memory_space<vmem>>
        %dma_start3A_44 = arith.constant 0 : i32
        %dma_start3A_45 = arith.constant 0 : i32
        %dma_start3A_46 = tpu.memref_slice %arg11[%dma_start3A_44, %dma_start3A_45] : memref<10112x144xf32, #tpu.memory_space<vmem_shared>> -> memref<10112x144xf32, #tpu.memory_space<vmem_shared>>
        tpu.enqueue_indirect_dma source(%arg9 : memref<64x144xf32, #tpu.memory_space<vmem>>) target(%dma_start3A_46 : memref<10112x144xf32, #tpu.memory_space<vmem_shared>>) offsets(%dma_start3A_43 : memref<64xi32, #tpu.memory_space<vmem>>) semaphore(%arg14 : memref<!tpu.dma_semaphore, #tpu.memory_space<semaphore_mem>>) {add = true}
        %dma_wait3A_47 = arith.constant 0 : i32
        %dma_wait3A_48 = tpu.memref_slice %arg7[%add3A_29, %dma_wait3A_47] : memref<32x64xi32, #tpu.memory_space<vmem>> -> memref<1x64xi32, #tpu.memory_space<vmem>>
        %dma_wait3A_49 = tpu.memref_squeeze %dma_wait3A_48 : memref<1x64xi32, #tpu.memory_space<vmem>> -> memref<64xi32, #tpu.memory_space<vmem>>
        %dma_wait3A_50 = arith.constant 0 : i32
        %dma_wait3A_51 = arith.constant 0 : i32
        %dma_wait3A_52 = tpu.memref_slice %arg2[%dma_wait3A_50, %dma_wait3A_51] : memref<10000x144xf32, #tpu.memory_space<hbm>> -> memref<10000x144xf32, #tpu.memory_space<hbm>>
        tpu.wait_indirect_dma semaphore(%arg13 : memref<!tpu.dma_semaphore, #tpu.memory_space<semaphore_mem>>) src(%dma_wait3A_52 : memref<10000x144xf32, #tpu.memory_space<hbm>>) dst(%arg10 : memref<64x144xf32, #tpu.memory_space<vmem>>)
        %add3A_53 = arith.constant 1 : i32
        %add3A_54 = arith.addi %mul3A_22, %add3A_53 : i32
        %dma_start3A_55 = arith.constant 0 : i32
        %dma_start3A_56 = tpu.memref_slice %arg8[%add3A_54, %dma_start3A_55] : memref<32x64xi32, #tpu.memory_space<vmem>> -> memref<1x64xi32, #tpu.memory_space<vmem>>
        %dma_start3A_57 = tpu.memref_squeeze %dma_start3A_56 : memref<1x64xi32, #tpu.memory_space<vmem>> -> memref<64xi32, #tpu.memory_space<vmem>>
        %dma_start3A_58 = arith.constant 0 : i32
        %dma_start3A_59 = arith.constant 0 : i32
        %dma_start3A_60 = tpu.memref_slice %arg11[%dma_start3A_58, %dma_start3A_59] : memref<10112x144xf32, #tpu.memory_space<vmem_shared>> -> memref<10112x144xf32, #tpu.memory_space<vmem_shared>>
        tpu.enqueue_indirect_dma source(%arg10 : memref<64x144xf32, #tpu.memory_space<vmem>>) target(%dma_start3A_60 : memref<10112x144xf32, #tpu.memory_space<vmem_shared>>) offsets(%dma_start3A_57 : memref<64xi32, #tpu.memory_space<vmem>>) semaphore(%arg15 : memref<!tpu.dma_semaphore, #tpu.memory_space<semaphore_mem>>) {add = true}
        %dma_wait3A_61 = arith.constant 0 : i32
        %dma_wait3A_62 = tpu.memref_slice %arg8[%mul3A_22, %dma_wait3A_61] : memref<32x64xi32, #tpu.memory_space<vmem>> -> memref<1x64xi32, #tpu.memory_space<vmem>>
        %dma_wait3A_63 = tpu.memref_squeeze %dma_wait3A_62 : memref<1x64xi32, #tpu.memory_space<vmem>> -> memref<64xi32, #tpu.memory_space<vmem>>
        %dma_wait3A_64 = arith.constant 0 : i32
        %dma_wait3A_65 = arith.constant 0 : i32
        %dma_wait3A_66 = tpu.memref_slice %arg11[%dma_wait3A_64, %dma_wait3A_65] : memref<10112x144xf32, #tpu.memory_space<vmem_shared>> -> memref<10112x144xf32, #tpu.memory_space<vmem_shared>>
        tpu.wait_indirect_dma semaphore(%arg14 : memref<!tpu.dma_semaphore, #tpu.memory_space<semaphore_mem>>) src(%arg9 : memref<64x144xf32, #tpu.memory_space<vmem>>) dst(%dma_wait3A_66 : memref<10112x144xf32, #tpu.memory_space<vmem_shared>>)
        %dma_wait3A_67 = arith.constant 0 : i32
        %dma_wait3A_68 = tpu.memref_slice %arg8[%add3A_54, %dma_wait3A_67] : memref<32x64xi32, #tpu.memory_space<vmem>> -> memref<1x64xi32, #tpu.memory_space<vmem>>
        %dma_wait3A_69 = tpu.memref_squeeze %dma_wait3A_68 : memref<1x64xi32, #tpu.memory_space<vmem>> -> memref<64xi32, #tpu.memory_space<vmem>>
        %dma_wait3A_70 = arith.constant 0 : i32
        %dma_wait3A_71 = arith.constant 0 : i32
        %dma_wait3A_72 = tpu.memref_slice %arg11[%dma_wait3A_70, %dma_wait3A_71] : memref<10112x144xf32, #tpu.memory_space<vmem_shared>> -> memref<10112x144xf32, #tpu.memory_space<vmem_shared>>
        tpu.wait_indirect_dma semaphore(%arg15 : memref<!tpu.dma_semaphore, #tpu.memory_space<semaphore_mem>>) src(%arg10 : memref<64x144xf32, #tpu.memory_space<vmem>>) dst(%dma_wait3A_72 : memref<10112x144xf32, #tpu.memory_space<vmem_shared>>)
      }
      %scan3A_19 = arith.constant 16 : i32
    }
    %scan3A_7 = arith.constant 5 : i32
    %barrier3A_8 = arith.constant 0 : index
    tpu.barrier barrier_id(%barrier3A_8)
    "tpu.region"() ({
      %run_scoped3A = tpu.sem_alloc : memref<!tpu.dma_semaphore, #tpu.memory_space<semaphore_mem>>
      %dma_start3A = arith.constant 0 : i32
      %dma_start3A_9 = tpu.memref_slice %arg6[%arg0, %mul3A_2, %dma_start3A] : memref<2x10112x144xf32, #tpu.memory_space<hbm>> -> memref<1x632x144xf32, #tpu.memory_space<hbm>>
      %dma_start3A_10 = tpu.memref_squeeze %dma_start3A_9 : memref<1x632x144xf32, #tpu.memory_space<hbm>> -> memref<632x144xf32, #tpu.memory_space<hbm>>
      %dma_start3A_11 = arith.constant 0 : i32
      %dma_start3A_12 = tpu.memref_slice %arg11[%mul3A_2, %dma_start3A_11] : memref<10112x144xf32, #tpu.memory_space<vmem_shared>> -> memref<632x144xf32, #tpu.memory_space<vmem_shared>>
      tpu.enqueue_dma source(%dma_start3A_12 : memref<632x144xf32, #tpu.memory_space<vmem_shared>>) target(%dma_start3A_10 : memref<632x144xf32, #tpu.memory_space<hbm>>) target_semaphore(%run_scoped3A : memref<!tpu.dma_semaphore, #tpu.memory_space<semaphore_mem>>)
      %dma_wait3A = arith.constant 0 : i32
      %dma_wait3A_13 = tpu.memref_slice %arg6[%arg0, %mul3A_2, %dma_wait3A] : memref<2x10112x144xf32, #tpu.memory_space<hbm>> -> memref<1x632x144xf32, #tpu.memory_space<hbm>>
      %dma_wait3A_14 = tpu.memref_squeeze %dma_wait3A_13 : memref<1x632x144xf32, #tpu.memory_space<hbm>> -> memref<632x144xf32, #tpu.memory_space<hbm>>
      %dma_wait3A_15 = arith.constant 0 : i32
      %dma_wait3A_16 = tpu.memref_slice %arg11[%mul3A_2, %dma_wait3A_15] : memref<10112x144xf32, #tpu.memory_space<vmem_shared>> -> memref<632x144xf32, #tpu.memory_space<vmem_shared>>
      tpu.wait_dma2 semaphore(%run_scoped3A : memref<!tpu.dma_semaphore, #tpu.memory_space<semaphore_mem>>) src(%dma_wait3A_16 : memref<632x144xf32, #tpu.memory_space<vmem_shared>>) dst(%dma_wait3A_14 : memref<632x144xf32, #tpu.memory_space<hbm>>)
      tpu.yield
    }) : () -> ()
    return
  }
}

#map = affine_map<(d0, d1) -> (0, 0)>
#map1 = affine_map<(d0, d1) -> (0, 0, 0, 0)>
#map2 = affine_map<(d0, d1) -> (0, 0, 0)>
module attributes {stable_mosaic.version = 14 : i64} {
  func.func @_gcn_body(%arg0: i32, %arg1: i32, %arg2: memref<20224x128xbf16, #tpu.memory_space<hbm>>, %arg3: memref<2x16x160x128xi32, #tpu.memory_space<hbm>>, %arg4: memref<16x160x128xi32, #tpu.memory_space<hbm>>, %arg5: memref<632x128xbf16, #tpu.memory_space<hbm>>, %arg6: memref<2x10112x128xbf16, #tpu.memory_space<hbm>>, %arg7: memref<40x128xi32, #tpu.memory_space<vmem>>, %arg8: memref<40x128xi32, #tpu.memory_space<vmem>>, %arg9: memref<128x128xbf16, #tpu.memory_space<vmem>>, %arg10: memref<128x128xbf16, #tpu.memory_space<vmem>>, %arg11: memref<10112x128xbf16, #tpu.memory_space<vmem_shared>>, %arg12: memref<!tpu.dma_semaphore, #tpu.memory_space<semaphore_mem>>, %arg13: memref<!tpu.dma_semaphore, #tpu.memory_space<semaphore_mem>>, %arg14: memref<!tpu.dma_semaphore, #tpu.memory_space<semaphore_mem>>, %arg15: memref<!tpu.dma_semaphore, #tpu.memory_space<semaphore_mem>>) attributes {dimension_semantics = [#tpu.dimension_semantics<core_parallel>, #tpu.dimension_semantics<subcore_parallel>], iteration_bounds = array<i64: 2, 16>, scalar_prefetch = 0 : i64, scratch_operands = 9 : i64, tpu.core_type = #tpu.core_type<sc_vector_subcore>, window_params = [{transform_indices = #map}, {transform_indices = #map1}, {transform_indices = #map2}, {transform_indices = #map}, {transform_indices = #map2}]} {
    %mul3A = arith.constant 632 : i32
    %mul3A_0 = arith.muli %arg1, %mul3A : i32
    "tpu.region"() ({
      %run_scoped3A = tpu.sem_alloc : memref<!tpu.dma_semaphore, #tpu.memory_space<semaphore_mem>>
      %dma_start3A = arith.constant 0 : i32
      %dma_start3A_7 = tpu.memref_slice %arg11[%mul3A_0, %dma_start3A] : memref<10112x128xbf16, #tpu.memory_space<vmem_shared>> -> memref<632x128xbf16, #tpu.memory_space<vmem_shared>>
      tpu.enqueue_dma source(%arg5 : memref<632x128xbf16, #tpu.memory_space<hbm>>) target(%dma_start3A_7 : memref<632x128xbf16, #tpu.memory_space<vmem_shared>>) target_semaphore(%run_scoped3A : memref<!tpu.dma_semaphore, #tpu.memory_space<semaphore_mem>>)
      %dma_wait3A = arith.constant 0 : i32
      %dma_wait3A_8 = tpu.memref_slice %arg11[%mul3A_0, %dma_wait3A] : memref<10112x128xbf16, #tpu.memory_space<vmem_shared>> -> memref<632x128xbf16, #tpu.memory_space<vmem_shared>>
      tpu.wait_dma2 semaphore(%run_scoped3A : memref<!tpu.dma_semaphore, #tpu.memory_space<semaphore_mem>>) src(%arg5 : memref<632x128xbf16, #tpu.memory_space<hbm>>) dst(%dma_wait3A_8 : memref<632x128xbf16, #tpu.memory_space<vmem_shared>>)
      tpu.yield
    }) : () -> ()
    %barrier3A = arith.constant 0 : index
    tpu.barrier barrier_id(%barrier3A)
    %scan3A = arith.constant 0 : i32
    %scan3A_1 = arith.constant 0 : i32
    %scan3A_2 = arith.constant 4 : i32
    %scan3A_3 = arith.addi %scan3A_1, %scan3A_2 : i32
    %scan3A_4 = arith.constant 1 : i32
    scf.for %scan3A_7 = %scan3A_1 to %scan3A_3 step %scan3A_4  : i32 {
      %mul3A_8 = arith.constant 40 : i32
      %mul3A_9 = arith.muli %scan3A_7, %mul3A_8 : i32
      "tpu.region"() ({
        %run_scoped3A = tpu.sem_alloc : memref<!tpu.dma_semaphore, #tpu.memory_space<semaphore_mem>>
        %dma_start3A = arith.constant 0 : i32
        %dma_start3A_18 = tpu.memref_slice %arg3[%arg0, %arg1, %mul3A_9, %dma_start3A] : memref<2x16x160x128xi32, #tpu.memory_space<hbm>> -> memref<1x1x40x128xi32, #tpu.memory_space<hbm>>
        %dma_start3A_19 = tpu.memref_squeeze %dma_start3A_18 : memref<1x1x40x128xi32, #tpu.memory_space<hbm>> -> memref<40x128xi32, #tpu.memory_space<hbm>>
        %dma_start3A_20 = arith.constant 0 : i32
        %dma_start3A_21 = tpu.memref_slice %arg3[%arg0, %arg1, %mul3A_9, %dma_start3A_20] : memref<2x16x160x128xi32, #tpu.memory_space<hbm>> -> memref<1x1x40x128xi32, #tpu.memory_space<hbm>>
        %dma_start3A_22 = tpu.memref_squeeze %dma_start3A_21 : memref<1x1x40x128xi32, #tpu.memory_space<hbm>> -> memref<40x128xi32, #tpu.memory_space<hbm>>
        tpu.enqueue_dma source(%dma_start3A_22 : memref<40x128xi32, #tpu.memory_space<hbm>>) target(%arg7 : memref<40x128xi32, #tpu.memory_space<vmem>>) target_semaphore(%run_scoped3A : memref<!tpu.dma_semaphore, #tpu.memory_space<semaphore_mem>>)
        %dma_wait3A = arith.constant 0 : i32
        %dma_wait3A_23 = tpu.memref_slice %arg3[%arg0, %arg1, %mul3A_9, %dma_wait3A] : memref<2x16x160x128xi32, #tpu.memory_space<hbm>> -> memref<1x1x40x128xi32, #tpu.memory_space<hbm>>
        %dma_wait3A_24 = tpu.memref_squeeze %dma_wait3A_23 : memref<1x1x40x128xi32, #tpu.memory_space<hbm>> -> memref<40x128xi32, #tpu.memory_space<hbm>>
        %dma_wait3A_25 = arith.constant 0 : i32
        %dma_wait3A_26 = tpu.memref_slice %arg3[%arg0, %arg1, %mul3A_9, %dma_wait3A_25] : memref<2x16x160x128xi32, #tpu.memory_space<hbm>> -> memref<1x1x40x128xi32, #tpu.memory_space<hbm>>
        %dma_wait3A_27 = tpu.memref_squeeze %dma_wait3A_26 : memref<1x1x40x128xi32, #tpu.memory_space<hbm>> -> memref<40x128xi32, #tpu.memory_space<hbm>>
        tpu.wait_dma2 semaphore(%run_scoped3A : memref<!tpu.dma_semaphore, #tpu.memory_space<semaphore_mem>>) src(%dma_wait3A_27 : memref<40x128xi32, #tpu.memory_space<hbm>>) dst(%arg7 : memref<40x128xi32, #tpu.memory_space<vmem>>)
        tpu.yield
      }) : () -> ()
      %mul3A_10 = arith.constant 40 : i32
      %mul3A_11 = arith.muli %scan3A_7, %mul3A_10 : i32
      "tpu.region"() ({
        %run_scoped3A = tpu.sem_alloc : memref<!tpu.dma_semaphore, #tpu.memory_space<semaphore_mem>>
        %dma_start3A = arith.constant 0 : i32
        %dma_start3A_18 = tpu.memref_slice %arg4[%arg1, %mul3A_11, %dma_start3A] : memref<16x160x128xi32, #tpu.memory_space<hbm>> -> memref<1x40x128xi32, #tpu.memory_space<hbm>>
        %dma_start3A_19 = tpu.memref_squeeze %dma_start3A_18 : memref<1x40x128xi32, #tpu.memory_space<hbm>> -> memref<40x128xi32, #tpu.memory_space<hbm>>
        %dma_start3A_20 = arith.constant 0 : i32
        %dma_start3A_21 = tpu.memref_slice %arg4[%arg1, %mul3A_11, %dma_start3A_20] : memref<16x160x128xi32, #tpu.memory_space<hbm>> -> memref<1x40x128xi32, #tpu.memory_space<hbm>>
        %dma_start3A_22 = tpu.memref_squeeze %dma_start3A_21 : memref<1x40x128xi32, #tpu.memory_space<hbm>> -> memref<40x128xi32, #tpu.memory_space<hbm>>
        tpu.enqueue_dma source(%dma_start3A_22 : memref<40x128xi32, #tpu.memory_space<hbm>>) target(%arg8 : memref<40x128xi32, #tpu.memory_space<vmem>>) target_semaphore(%run_scoped3A : memref<!tpu.dma_semaphore, #tpu.memory_space<semaphore_mem>>)
        %dma_wait3A = arith.constant 0 : i32
        %dma_wait3A_23 = tpu.memref_slice %arg4[%arg1, %mul3A_11, %dma_wait3A] : memref<16x160x128xi32, #tpu.memory_space<hbm>> -> memref<1x40x128xi32, #tpu.memory_space<hbm>>
        %dma_wait3A_24 = tpu.memref_squeeze %dma_wait3A_23 : memref<1x40x128xi32, #tpu.memory_space<hbm>> -> memref<40x128xi32, #tpu.memory_space<hbm>>
        %dma_wait3A_25 = arith.constant 0 : i32
        %dma_wait3A_26 = tpu.memref_slice %arg4[%arg1, %mul3A_11, %dma_wait3A_25] : memref<16x160x128xi32, #tpu.memory_space<hbm>> -> memref<1x40x128xi32, #tpu.memory_space<hbm>>
        %dma_wait3A_27 = tpu.memref_squeeze %dma_wait3A_26 : memref<1x40x128xi32, #tpu.memory_space<hbm>> -> memref<40x128xi32, #tpu.memory_space<hbm>>
        tpu.wait_dma2 semaphore(%run_scoped3A : memref<!tpu.dma_semaphore, #tpu.memory_space<semaphore_mem>>) src(%dma_wait3A_27 : memref<40x128xi32, #tpu.memory_space<hbm>>) dst(%arg8 : memref<40x128xi32, #tpu.memory_space<vmem>>)
        tpu.yield
      }) : () -> ()
      %scan3A_12 = arith.constant 0 : i32
      %scan3A_13 = arith.constant 0 : i32
      %scan3A_14 = arith.constant 20 : i32
      %scan3A_15 = arith.addi %scan3A_13, %scan3A_14 : i32
      %scan3A_16 = arith.constant 1 : i32
      scf.for %scan3A_18 = %scan3A_13 to %scan3A_15 step %scan3A_16  : i32 {
        %mul3A_19 = arith.constant 2 : i32
        %mul3A_20 = arith.muli %mul3A_19, %scan3A_18 : i32
        %dma_start3A = arith.constant 0 : i32
        %dma_start3A_21 = tpu.memref_slice %arg7[%mul3A_20, %dma_start3A] : memref<40x128xi32, #tpu.memory_space<vmem>> -> memref<1x128xi32, #tpu.memory_space<vmem>>
        %dma_start3A_22 = tpu.memref_squeeze %dma_start3A_21 : memref<1x128xi32, #tpu.memory_space<vmem>> -> memref<128xi32, #tpu.memory_space<vmem>>
        %dma_start3A_23 = arith.constant 0 : i32
        %dma_start3A_24 = arith.constant 0 : i32
        %dma_start3A_25 = tpu.memref_slice %arg2[%dma_start3A_23, %dma_start3A_24] : memref<20224x128xbf16, #tpu.memory_space<hbm>> -> memref<20224x128xbf16, #tpu.memory_space<hbm>>
        tpu.enqueue_indirect_dma source(%dma_start3A_25 : memref<20224x128xbf16, #tpu.memory_space<hbm>>) target(%arg9 : memref<128x128xbf16, #tpu.memory_space<vmem>>) offsets(%dma_start3A_22 : memref<128xi32, #tpu.memory_space<vmem>>) semaphore(%arg12 : memref<!tpu.dma_semaphore, #tpu.memory_space<semaphore_mem>>)
        %add3A = arith.constant 1 : i32
        %add3A_26 = arith.addi %mul3A_20, %add3A : i32
        %dma_start3A_27 = arith.constant 0 : i32
        %dma_start3A_28 = tpu.memref_slice %arg7[%add3A_26, %dma_start3A_27] : memref<40x128xi32, #tpu.memory_space<vmem>> -> memref<1x128xi32, #tpu.memory_space<vmem>>
        %dma_start3A_29 = tpu.memref_squeeze %dma_start3A_28 : memref<1x128xi32, #tpu.memory_space<vmem>> -> memref<128xi32, #tpu.memory_space<vmem>>
        %dma_start3A_30 = arith.constant 0 : i32
        %dma_start3A_31 = arith.constant 0 : i32
        %dma_start3A_32 = tpu.memref_slice %arg2[%dma_start3A_30, %dma_start3A_31] : memref<20224x128xbf16, #tpu.memory_space<hbm>> -> memref<20224x128xbf16, #tpu.memory_space<hbm>>
        tpu.enqueue_indirect_dma source(%dma_start3A_32 : memref<20224x128xbf16, #tpu.memory_space<hbm>>) target(%arg10 : memref<128x128xbf16, #tpu.memory_space<vmem>>) offsets(%dma_start3A_29 : memref<128xi32, #tpu.memory_space<vmem>>) semaphore(%arg13 : memref<!tpu.dma_semaphore, #tpu.memory_space<semaphore_mem>>)
        %dma_wait3A = arith.constant 0 : i32
        %dma_wait3A_33 = tpu.memref_slice %arg7[%mul3A_20, %dma_wait3A] : memref<40x128xi32, #tpu.memory_space<vmem>> -> memref<1x128xi32, #tpu.memory_space<vmem>>
        %dma_wait3A_34 = tpu.memref_squeeze %dma_wait3A_33 : memref<1x128xi32, #tpu.memory_space<vmem>> -> memref<128xi32, #tpu.memory_space<vmem>>
        %dma_wait3A_35 = arith.constant 0 : i32
        %dma_wait3A_36 = arith.constant 0 : i32
        %dma_wait3A_37 = tpu.memref_slice %arg2[%dma_wait3A_35, %dma_wait3A_36] : memref<20224x128xbf16, #tpu.memory_space<hbm>> -> memref<20224x128xbf16, #tpu.memory_space<hbm>>
        tpu.wait_indirect_dma semaphore(%arg12 : memref<!tpu.dma_semaphore, #tpu.memory_space<semaphore_mem>>) src(%dma_wait3A_37 : memref<20224x128xbf16, #tpu.memory_space<hbm>>) dst(%arg9 : memref<128x128xbf16, #tpu.memory_space<vmem>>)
        %dma_start3A_38 = arith.constant 0 : i32
        %dma_start3A_39 = tpu.memref_slice %arg8[%mul3A_20, %dma_start3A_38] : memref<40x128xi32, #tpu.memory_space<vmem>> -> memref<1x128xi32, #tpu.memory_space<vmem>>
        %dma_start3A_40 = tpu.memref_squeeze %dma_start3A_39 : memref<1x128xi32, #tpu.memory_space<vmem>> -> memref<128xi32, #tpu.memory_space<vmem>>
        %dma_start3A_41 = arith.constant 0 : i32
        %dma_start3A_42 = arith.constant 0 : i32
        %dma_start3A_43 = tpu.memref_slice %arg11[%dma_start3A_41, %dma_start3A_42] : memref<10112x128xbf16, #tpu.memory_space<vmem_shared>> -> memref<10112x128xbf16, #tpu.memory_space<vmem_shared>>
        tpu.enqueue_indirect_dma source(%arg9 : memref<128x128xbf16, #tpu.memory_space<vmem>>) target(%dma_start3A_43 : memref<10112x128xbf16, #tpu.memory_space<vmem_shared>>) offsets(%dma_start3A_40 : memref<128xi32, #tpu.memory_space<vmem>>) semaphore(%arg14 : memref<!tpu.dma_semaphore, #tpu.memory_space<semaphore_mem>>) {add = true}
        %dma_wait3A_44 = arith.constant 0 : i32
        %dma_wait3A_45 = tpu.memref_slice %arg7[%add3A_26, %dma_wait3A_44] : memref<40x128xi32, #tpu.memory_space<vmem>> -> memref<1x128xi32, #tpu.memory_space<vmem>>
        %dma_wait3A_46 = tpu.memref_squeeze %dma_wait3A_45 : memref<1x128xi32, #tpu.memory_space<vmem>> -> memref<128xi32, #tpu.memory_space<vmem>>
        %dma_wait3A_47 = arith.constant 0 : i32
        %dma_wait3A_48 = arith.constant 0 : i32
        %dma_wait3A_49 = tpu.memref_slice %arg2[%dma_wait3A_47, %dma_wait3A_48] : memref<20224x128xbf16, #tpu.memory_space<hbm>> -> memref<20224x128xbf16, #tpu.memory_space<hbm>>
        tpu.wait_indirect_dma semaphore(%arg13 : memref<!tpu.dma_semaphore, #tpu.memory_space<semaphore_mem>>) src(%dma_wait3A_49 : memref<20224x128xbf16, #tpu.memory_space<hbm>>) dst(%arg10 : memref<128x128xbf16, #tpu.memory_space<vmem>>)
        %add3A_50 = arith.constant 1 : i32
        %add3A_51 = arith.addi %mul3A_20, %add3A_50 : i32
        %dma_start3A_52 = arith.constant 0 : i32
        %dma_start3A_53 = tpu.memref_slice %arg8[%add3A_51, %dma_start3A_52] : memref<40x128xi32, #tpu.memory_space<vmem>> -> memref<1x128xi32, #tpu.memory_space<vmem>>
        %dma_start3A_54 = tpu.memref_squeeze %dma_start3A_53 : memref<1x128xi32, #tpu.memory_space<vmem>> -> memref<128xi32, #tpu.memory_space<vmem>>
        %dma_start3A_55 = arith.constant 0 : i32
        %dma_start3A_56 = arith.constant 0 : i32
        %dma_start3A_57 = tpu.memref_slice %arg11[%dma_start3A_55, %dma_start3A_56] : memref<10112x128xbf16, #tpu.memory_space<vmem_shared>> -> memref<10112x128xbf16, #tpu.memory_space<vmem_shared>>
        tpu.enqueue_indirect_dma source(%arg10 : memref<128x128xbf16, #tpu.memory_space<vmem>>) target(%dma_start3A_57 : memref<10112x128xbf16, #tpu.memory_space<vmem_shared>>) offsets(%dma_start3A_54 : memref<128xi32, #tpu.memory_space<vmem>>) semaphore(%arg15 : memref<!tpu.dma_semaphore, #tpu.memory_space<semaphore_mem>>) {add = true}
        %dma_wait3A_58 = arith.constant 0 : i32
        %dma_wait3A_59 = tpu.memref_slice %arg8[%mul3A_20, %dma_wait3A_58] : memref<40x128xi32, #tpu.memory_space<vmem>> -> memref<1x128xi32, #tpu.memory_space<vmem>>
        %dma_wait3A_60 = tpu.memref_squeeze %dma_wait3A_59 : memref<1x128xi32, #tpu.memory_space<vmem>> -> memref<128xi32, #tpu.memory_space<vmem>>
        %dma_wait3A_61 = arith.constant 0 : i32
        %dma_wait3A_62 = arith.constant 0 : i32
        %dma_wait3A_63 = tpu.memref_slice %arg11[%dma_wait3A_61, %dma_wait3A_62] : memref<10112x128xbf16, #tpu.memory_space<vmem_shared>> -> memref<10112x128xbf16, #tpu.memory_space<vmem_shared>>
        tpu.wait_indirect_dma semaphore(%arg14 : memref<!tpu.dma_semaphore, #tpu.memory_space<semaphore_mem>>) src(%arg9 : memref<128x128xbf16, #tpu.memory_space<vmem>>) dst(%dma_wait3A_63 : memref<10112x128xbf16, #tpu.memory_space<vmem_shared>>)
        %dma_wait3A_64 = arith.constant 0 : i32
        %dma_wait3A_65 = tpu.memref_slice %arg8[%add3A_51, %dma_wait3A_64] : memref<40x128xi32, #tpu.memory_space<vmem>> -> memref<1x128xi32, #tpu.memory_space<vmem>>
        %dma_wait3A_66 = tpu.memref_squeeze %dma_wait3A_65 : memref<1x128xi32, #tpu.memory_space<vmem>> -> memref<128xi32, #tpu.memory_space<vmem>>
        %dma_wait3A_67 = arith.constant 0 : i32
        %dma_wait3A_68 = arith.constant 0 : i32
        %dma_wait3A_69 = tpu.memref_slice %arg11[%dma_wait3A_67, %dma_wait3A_68] : memref<10112x128xbf16, #tpu.memory_space<vmem_shared>> -> memref<10112x128xbf16, #tpu.memory_space<vmem_shared>>
        tpu.wait_indirect_dma semaphore(%arg15 : memref<!tpu.dma_semaphore, #tpu.memory_space<semaphore_mem>>) src(%arg10 : memref<128x128xbf16, #tpu.memory_space<vmem>>) dst(%dma_wait3A_69 : memref<10112x128xbf16, #tpu.memory_space<vmem_shared>>)
      }
      %scan3A_17 = arith.constant 20 : i32
    }
    %scan3A_5 = arith.constant 4 : i32
    %barrier3A_6 = arith.constant 0 : index
    tpu.barrier barrier_id(%barrier3A_6)
    "tpu.region"() ({
      %run_scoped3A = tpu.sem_alloc : memref<!tpu.dma_semaphore, #tpu.memory_space<semaphore_mem>>
      %dma_start3A = arith.constant 0 : i32
      %dma_start3A_7 = tpu.memref_slice %arg6[%arg0, %mul3A_0, %dma_start3A] : memref<2x10112x128xbf16, #tpu.memory_space<hbm>> -> memref<1x632x128xbf16, #tpu.memory_space<hbm>>
      %dma_start3A_8 = tpu.memref_squeeze %dma_start3A_7 : memref<1x632x128xbf16, #tpu.memory_space<hbm>> -> memref<632x128xbf16, #tpu.memory_space<hbm>>
      %dma_start3A_9 = arith.constant 0 : i32
      %dma_start3A_10 = tpu.memref_slice %arg11[%mul3A_0, %dma_start3A_9] : memref<10112x128xbf16, #tpu.memory_space<vmem_shared>> -> memref<632x128xbf16, #tpu.memory_space<vmem_shared>>
      tpu.enqueue_dma source(%dma_start3A_10 : memref<632x128xbf16, #tpu.memory_space<vmem_shared>>) target(%dma_start3A_8 : memref<632x128xbf16, #tpu.memory_space<hbm>>) target_semaphore(%run_scoped3A : memref<!tpu.dma_semaphore, #tpu.memory_space<semaphore_mem>>)
      %dma_wait3A = arith.constant 0 : i32
      %dma_wait3A_11 = tpu.memref_slice %arg6[%arg0, %mul3A_0, %dma_wait3A] : memref<2x10112x128xbf16, #tpu.memory_space<hbm>> -> memref<1x632x128xbf16, #tpu.memory_space<hbm>>
      %dma_wait3A_12 = tpu.memref_squeeze %dma_wait3A_11 : memref<1x632x128xbf16, #tpu.memory_space<hbm>> -> memref<632x128xbf16, #tpu.memory_space<hbm>>
      %dma_wait3A_13 = arith.constant 0 : i32
      %dma_wait3A_14 = tpu.memref_slice %arg11[%mul3A_0, %dma_wait3A_13] : memref<10112x128xbf16, #tpu.memory_space<vmem_shared>> -> memref<632x128xbf16, #tpu.memory_space<vmem_shared>>
      tpu.wait_dma2 semaphore(%run_scoped3A : memref<!tpu.dma_semaphore, #tpu.memory_space<semaphore_mem>>) src(%dma_wait3A_14 : memref<632x128xbf16, #tpu.memory_space<vmem_shared>>) dst(%dma_wait3A_12 : memref<632x128xbf16, #tpu.memory_space<hbm>>)
      tpu.yield
    }) : () -> ()
    return
  }
}

module attributes {stable_mosaic.version = 14 : i64} {
  func.func @_dense_body(%arg0: memref<10000x128xf32, #tpu.memory_space<vmem>>, %arg1: memref<2x10112x144xf32, #tpu.memory_space<vmem>>, %arg2: memref<128x256xf32, #tpu.memory_space<vmem>>, %arg3: memref<1x256xf32, #tpu.memory_space<vmem>>, %arg4: memref<1x256xf32, #tpu.memory_space<vmem>>, %arg5: memref<1x256xf32, #tpu.memory_space<vmem>>, %arg6: memref<256x256xf32, #tpu.memory_space<vmem>>, %arg7: memref<1x256xf32, #tpu.memory_space<vmem>>, %arg8: memref<256x256xf32, #tpu.memory_space<vmem>>, %arg9: memref<2x10112x128xbf16, #tpu.memory_space<vmem>>, %arg10: memref<10000x128xf32, #tpu.memory_space<vmem>>) attributes {dimension_semantics = [], scalar_prefetch = 0 : i64, scratch_operands = 0 : i64, tpu.core_type = #tpu.core_type<tc>} {
    %get3A = arith.constant 0 : index
    %get3A_0 = arith.constant 0 : index
    %get3A_1 = vector.load %arg0[%get3A, %get3A_0] : memref<10000x128xf32, #tpu.memory_space<vmem>>, vector<10000x128xf32>
    %get3A_2 = arith.constant 0 : index
    %get3A_3 = arith.constant 0 : index
    %get3A_4 = arith.constant 0 : index
    %get3A_5 = vector.load %arg1[%get3A_2, %get3A_3, %get3A_4] : memref<2x10112x144xf32, #tpu.memory_space<vmem>>, vector<1x10000x128xf32>
    %get3A_6 = vector.shape_cast %get3A_5 : vector<1x10000x128xf32> to vector<10000x128xf32>
    %add3A = arith.addf %get3A_1, %get3A_6 : vector<10000x128xf32>
    %get3A_7 = arith.constant 1 : index
    %get3A_8 = arith.constant 0 : index
    %get3A_9 = arith.constant 0 : index
    %get3A_10 = vector.load %arg1[%get3A_7, %get3A_8, %get3A_9] : memref<2x10112x144xf32, #tpu.memory_space<vmem>>, vector<1x10000x128xf32>
    %get3A_11 = vector.shape_cast %get3A_10 : vector<1x10000x128xf32> to vector<10000x128xf32>
    %add3A_12 = arith.addf %add3A, %get3A_11 : vector<10000x128xf32>
    %get3A_13 = arith.constant 0 : index
    %get3A_14 = arith.constant 0 : index
    %get3A_15 = vector.load %arg2[%get3A_13, %get3A_14] : memref<128x256xf32, #tpu.memory_space<vmem>>, vector<128x256xf32>
    %dot_general3A = arith.constant dense<0.000000e+00> : vector<10000x256xf32>
    %dot_general3A_16 = tpu.matmul %add3A_12, %get3A_15, %dot_general3A {dimension_numbers = #tpu.dot_dimension_numbers<[1], [0], [0], [1], [0, 0, 1, 1], [], []>, transpose_lhs_hint = false} : vector<10000x128xf32>, vector<128x256xf32>, vector<10000x256xf32> -> vector<10000x256xf32>
    %get3A_17 = arith.constant 0 : index
    %get3A_18 = arith.constant 0 : index
    %get3A_19 = vector.load %arg3[%get3A_17, %get3A_18] : memref<1x256xf32, #tpu.memory_space<vmem>>, vector<1x256xf32>
    %add3A_20 = vector.broadcast %get3A_19 : vector<1x256xf32> to vector<10000x256xf32>
    %add3A_21 = arith.addf %dot_general3A_16, %add3A_20 : vector<10000x256xf32>
    %reduce_sum3A = arith.constant dense<0.000000e+00> : vector<256xf32>
    %reduce_sum3A_22 = vector.multi_reduction <add>, %add3A_21, %reduce_sum3A [0] : vector<10000x256xf32> to vector<256xf32>
    %broadcast_in_dim3A = vector.shape_cast %reduce_sum3A_22 : vector<256xf32> to vector<1x256xf32>
    %div3A = arith.constant 1.000000e+04 : f32
    %div3A_23 = vector.broadcast %div3A : f32 to vector<1x256xf32>
    %div3A_24 = arith.divf %broadcast_in_dim3A, %div3A_23 : vector<1x256xf32>
    %sub3A = vector.broadcast %div3A_24 : vector<1x256xf32> to vector<10000x256xf32>
    %sub3A_25 = arith.subf %add3A_21, %sub3A : vector<10000x256xf32>
    %mul3A = arith.mulf %sub3A_25, %sub3A_25 : vector<10000x256xf32>
    %reduce_sum3A_26 = arith.constant dense<0.000000e+00> : vector<256xf32>
    %reduce_sum3A_27 = vector.multi_reduction <add>, %mul3A, %reduce_sum3A_26 [0] : vector<10000x256xf32> to vector<256xf32>
    %broadcast_in_dim3A_28 = vector.shape_cast %reduce_sum3A_27 : vector<256xf32> to vector<1x256xf32>
    %div3A_29 = arith.constant 1.000000e+04 : f32
    %div3A_30 = vector.broadcast %div3A_29 : f32 to vector<1x256xf32>
    %div3A_31 = arith.divf %broadcast_in_dim3A_28, %div3A_30 : vector<1x256xf32>
    %add3A_32 = arith.constant 9.99999974E-6 : f32
    %add3A_33 = vector.broadcast %add3A_32 : f32 to vector<1x256xf32>
    %add3A_34 = arith.addf %div3A_31, %add3A_33 : vector<1x256xf32>
    %rsqrt3A = math.rsqrt %add3A_34 : vector<1x256xf32>
    %mul3A_35 = vector.broadcast %rsqrt3A : vector<1x256xf32> to vector<10000x256xf32>
    %mul3A_36 = arith.mulf %sub3A_25, %mul3A_35 : vector<10000x256xf32>
    %get3A_37 = arith.constant 0 : index
    %get3A_38 = arith.constant 0 : index
    %get3A_39 = vector.load %arg4[%get3A_37, %get3A_38] : memref<1x256xf32, #tpu.memory_space<vmem>>, vector<1x256xf32>
    %mul3A_40 = vector.broadcast %get3A_39 : vector<1x256xf32> to vector<10000x256xf32>
    %mul3A_41 = arith.mulf %mul3A_36, %mul3A_40 : vector<10000x256xf32>
    %get3A_42 = arith.constant 0 : index
    %get3A_43 = arith.constant 0 : index
    %get3A_44 = vector.load %arg5[%get3A_42, %get3A_43] : memref<1x256xf32, #tpu.memory_space<vmem>>, vector<1x256xf32>
    %add3A_45 = vector.broadcast %get3A_44 : vector<1x256xf32> to vector<10000x256xf32>
    %add3A_46 = arith.addf %mul3A_41, %add3A_45 : vector<10000x256xf32>
    %max3A = arith.constant 0.000000e+00 : f32
    %max3A_47 = vector.broadcast %max3A : f32 to vector<10000x256xf32>
    %max3A_48 = arith.maximumf %add3A_46, %max3A_47 : vector<10000x256xf32>
    %get3A_49 = arith.constant 0 : index
    %get3A_50 = arith.constant 0 : index
    %get3A_51 = vector.load %arg6[%get3A_49, %get3A_50] : memref<256x256xf32, #tpu.memory_space<vmem>>, vector<256x256xf32>
    %dot_general3A_52 = arith.constant dense<0.000000e+00> : vector<10000x256xf32>
    %dot_general3A_53 = tpu.matmul %max3A_48, %get3A_51, %dot_general3A_52 {dimension_numbers = #tpu.dot_dimension_numbers<[1], [0], [0], [1], [0, 0, 1, 1], [], []>, transpose_lhs_hint = false} : vector<10000x256xf32>, vector<256x256xf32>, vector<10000x256xf32> -> vector<10000x256xf32>
    %get3A_54 = arith.constant 0 : index
    %get3A_55 = arith.constant 0 : index
    %get3A_56 = vector.load %arg7[%get3A_54, %get3A_55] : memref<1x256xf32, #tpu.memory_space<vmem>>, vector<1x256xf32>
    %add3A_57 = vector.broadcast %get3A_56 : vector<1x256xf32> to vector<10000x256xf32>
    %add3A_58 = arith.addf %dot_general3A_53, %add3A_57 : vector<10000x256xf32>
    %max3A_59 = arith.constant 0.000000e+00 : f32
    %max3A_60 = vector.broadcast %max3A_59 : f32 to vector<10000x256xf32>
    %max3A_61 = arith.maximumf %add3A_58, %max3A_60 : vector<10000x256xf32>
    %get3A_62 = arith.constant 0 : index
    %get3A_63 = arith.constant 0 : index
    %get3A_64 = vector.load %arg8[%get3A_62, %get3A_63] : memref<256x256xf32, #tpu.memory_space<vmem>>, vector<256x256xf32>
    %dot_general3A_65 = arith.constant dense<0.000000e+00> : vector<10000x256xf32>
    %dot_general3A_66 = tpu.matmul %max3A_61, %get3A_64, %dot_general3A_65 {dimension_numbers = #tpu.dot_dimension_numbers<[1], [0], [0], [1], [0, 0, 1, 1], [], []>, transpose_lhs_hint = false} : vector<10000x256xf32>, vector<256x256xf32>, vector<10000x256xf32> -> vector<10000x256xf32>
    %get3A_67 = arith.constant 0 : index
    %get3A_68 = arith.constant 0 : index
    %get3A_69 = arith.constant 128 : index
    %get3A_70 = vector.load %arg1[%get3A_67, %get3A_68, %get3A_69] : memref<2x10112x144xf32, #tpu.memory_space<vmem>>, vector<1x10000x1xf32>
    %get3A_71 = vector.shape_cast %get3A_70 : vector<1x10000x1xf32> to vector<10000x1xf32>
    %get3A_72 = arith.constant 1 : index
    %get3A_73 = arith.constant 0 : index
    %get3A_74 = arith.constant 128 : index
    %get3A_75 = vector.load %arg1[%get3A_72, %get3A_73, %get3A_74] : memref<2x10112x144xf32, #tpu.memory_space<vmem>>, vector<1x10000x1xf32>
    %get3A_76 = vector.shape_cast %get3A_75 : vector<1x10000x1xf32> to vector<10000x1xf32>
    %add3A_77 = arith.addf %get3A_71, %get3A_76 : vector<10000x1xf32>
    %add3A_78 = arith.constant 1.000000e+00 : f32
    %add3A_79 = vector.broadcast %add3A_78 : f32 to vector<10000x1xf32>
    %add3A_80 = arith.addf %add3A_77, %add3A_79 : vector<10000x1xf32>
    %rsqrt3A_81 = math.rsqrt %add3A_80 : vector<10000x1xf32>
    %mul3A_82 = vector.broadcast %rsqrt3A_81 : vector<10000x1xf32> to vector<10000x256xf32>
    %mul3A_83 = arith.mulf %dot_general3A_66, %mul3A_82 : vector<10000x256xf32>
    %convert_element_type3A = arith.truncf %mul3A_83 : vector<10000x256xf32> to vector<10000x256xbf16>
    %slice3A = vector.extract_strided_slice %convert_element_type3A {offsets = [0, 0], sizes = [10000, 128], strides = [1, 1]} : vector<10000x256xbf16> to vector<10000x128xbf16>
    %swap3A = arith.constant 0 : index
    %swap3A_84 = arith.constant 0 : index
    %swap3A_85 = arith.constant 0 : index
    %swap3A_86 = vector.load %arg9[%swap3A, %swap3A_84, %swap3A_85] : memref<2x10112x128xbf16, #tpu.memory_space<vmem>>, vector<1x10000x128xbf16>
    %swap3A_87 = vector.shape_cast %swap3A_86 : vector<1x10000x128xbf16> to vector<10000x128xbf16>
    %swap3A_88 = vector.shape_cast %slice3A : vector<10000x128xbf16> to vector<1x10000x128xbf16>
    tpu.vector_store %arg9[%swap3A, %swap3A_84, %swap3A_85], %swap3A_88 {strides = array<i32>} : memref<2x10112x128xbf16, #tpu.memory_space<vmem>>, vector<1x10000x128xbf16>,
    %slice3A_89 = vector.extract_strided_slice %convert_element_type3A {offsets = [0, 128], sizes = [10000, 128], strides = [1, 1]} : vector<10000x256xbf16> to vector<10000x128xbf16>
    %swap3A_90 = arith.constant 1 : index
    %swap3A_91 = arith.constant 0 : index
    %swap3A_92 = arith.constant 0 : index
    %swap3A_93 = vector.load %arg9[%swap3A_90, %swap3A_91, %swap3A_92] : memref<2x10112x128xbf16, #tpu.memory_space<vmem>>, vector<1x10000x128xbf16>
    %swap3A_94 = vector.shape_cast %swap3A_93 : vector<1x10000x128xbf16> to vector<10000x128xbf16>
    %swap3A_95 = vector.shape_cast %slice3A_89 : vector<10000x128xbf16> to vector<1x10000x128xbf16>
    tpu.vector_store %arg9[%swap3A_90, %swap3A_91, %swap3A_92], %swap3A_95 {strides = array<i32>} : memref<2x10112x128xbf16, #tpu.memory_space<vmem>>, vector<1x10000x128xbf16>,
    %broadcast_in_dim3A_96 = vector.shape_cast %rsqrt3A_81 : vector<10000x1xf32> to vector<10000x1xf32>
    %broadcast_in_dim3A_97 = vector.broadcast %broadcast_in_dim3A_96 : vector<10000x1xf32> to vector<10000x128xf32>
    %swap3A_98 = arith.constant 0 : index
    %swap3A_99 = arith.constant 0 : index
    %swap3A_100 = vector.load %arg10[%swap3A_98, %swap3A_99] : memref<10000x128xf32, #tpu.memory_space<vmem>>, vector<10000x128xf32>
    tpu.vector_store %arg10[%swap3A_98, %swap3A_99], %broadcast_in_dim3A_97 {strides = array<i32>} : memref<10000x128xf32, #tpu.memory_space<vmem>>, vector<10000x128xf32>,
    return
  }
}

module attributes {stable_mosaic.version = 14 : i64} {
  func.func @_final_body(%arg0: memref<2x10112x128xbf16, #tpu.memory_space<vmem>>, %arg1: memref<2x10112x128xbf16, #tpu.memory_space<vmem>>, %arg2: memref<10000x128xf32, #tpu.memory_space<vmem>>, %arg3: memref<1x128xf32, #tpu.memory_space<vmem>>, %arg4: memref<1x128xf32, #tpu.memory_space<vmem>>, %arg5: memref<10000x128xf32, #tpu.memory_space<vmem>>, %arg6: memref<10000x128xf32, #tpu.memory_space<vmem>>) attributes {dimension_semantics = [], scalar_prefetch = 0 : i64, scratch_operands = 0 : i64, tpu.core_type = #tpu.core_type<tc>} {
    %get3A = arith.constant 0 : index
    %get3A_0 = arith.constant 0 : index
    %get3A_1 = vector.load %arg2[%get3A, %get3A_0] : memref<10000x128xf32, #tpu.memory_space<vmem>>, vector<10000x128xf32>
    %get3A_2 = arith.constant 0 : index
    %get3A_3 = arith.constant 0 : index
    %get3A_4 = arith.constant 0 : index
    %get3A_5 = vector.load %arg0[%get3A_2, %get3A_3, %get3A_4] : memref<2x10112x128xbf16, #tpu.memory_space<vmem>>, vector<1x10000x128xbf16>
    %get3A_6 = vector.shape_cast %get3A_5 : vector<1x10000x128xbf16> to vector<10000x128xbf16>
    %convert_element_type3A = arith.extf %get3A_6 : vector<10000x128xbf16> to vector<10000x128xf32>
    %get3A_7 = arith.constant 0 : index
    %get3A_8 = arith.constant 0 : index
    %get3A_9 = arith.constant 0 : index
    %get3A_10 = vector.load %arg1[%get3A_7, %get3A_8, %get3A_9] : memref<2x10112x128xbf16, #tpu.memory_space<vmem>>, vector<1x10000x128xbf16>
    %get3A_11 = vector.shape_cast %get3A_10 : vector<1x10000x128xbf16> to vector<10000x128xbf16>
    %convert_element_type3A_12 = arith.extf %get3A_11 : vector<10000x128xbf16> to vector<10000x128xf32>
    %add3A = arith.addf %convert_element_type3A, %convert_element_type3A_12 : vector<10000x128xf32>
    %mul3A = arith.mulf %add3A, %get3A_1 : vector<10000x128xf32>
    %get3A_13 = arith.constant 0 : index
    %get3A_14 = arith.constant 0 : index
    %get3A_15 = vector.load %arg3[%get3A_13, %get3A_14] : memref<1x128xf32, #tpu.memory_space<vmem>>, vector<1x128xf32>
    %add3A_16 = vector.broadcast %get3A_15 : vector<1x128xf32> to vector<10000x128xf32>
    %add3A_17 = arith.addf %mul3A, %add3A_16 : vector<10000x128xf32>
    %swap3A = arith.constant 0 : index
    %swap3A_18 = arith.constant 0 : index
    %swap3A_19 = vector.load %arg5[%swap3A, %swap3A_18] : memref<10000x128xf32, #tpu.memory_space<vmem>>, vector<10000x128xf32>
    tpu.vector_store %arg5[%swap3A, %swap3A_18], %add3A_17 {strides = array<i32>} : memref<10000x128xf32, #tpu.memory_space<vmem>>, vector<10000x128xf32>,
    %get3A_20 = arith.constant 1 : index
    %get3A_21 = arith.constant 0 : index
    %get3A_22 = arith.constant 0 : index
    %get3A_23 = vector.load %arg0[%get3A_20, %get3A_21, %get3A_22] : memref<2x10112x128xbf16, #tpu.memory_space<vmem>>, vector<1x10000x128xbf16>
    %get3A_24 = vector.shape_cast %get3A_23 : vector<1x10000x128xbf16> to vector<10000x128xbf16>
    %convert_element_type3A_25 = arith.extf %get3A_24 : vector<10000x128xbf16> to vector<10000x128xf32>
    %get3A_26 = arith.constant 1 : index
    %get3A_27 = arith.constant 0 : index
    %get3A_28 = arith.constant 0 : index
    %get3A_29 = vector.load %arg1[%get3A_26, %get3A_27, %get3A_28] : memref<2x10112x128xbf16, #tpu.memory_space<vmem>>, vector<1x10000x128xbf16>
    %get3A_30 = vector.shape_cast %get3A_29 : vector<1x10000x128xbf16> to vector<10000x128xbf16>
    %convert_element_type3A_31 = arith.extf %get3A_30 : vector<10000x128xbf16> to vector<10000x128xf32>
    %add3A_32 = arith.addf %convert_element_type3A_25, %convert_element_type3A_31 : vector<10000x128xf32>
    %mul3A_33 = arith.mulf %add3A_32, %get3A_1 : vector<10000x128xf32>
    %get3A_34 = arith.constant 0 : index
    %get3A_35 = arith.constant 0 : index
    %get3A_36 = vector.load %arg4[%get3A_34, %get3A_35] : memref<1x128xf32, #tpu.memory_space<vmem>>, vector<1x128xf32>
    %add3A_37 = vector.broadcast %get3A_36 : vector<1x128xf32> to vector<10000x128xf32>
    %add3A_38 = arith.addf %mul3A_33, %add3A_37 : vector<10000x128xf32>
    %swap3A_39 = arith.constant 0 : index
    %swap3A_40 = arith.constant 0 : index
    %swap3A_41 = vector.load %arg6[%swap3A_39, %swap3A_40] : memref<10000x128xf32, #tpu.memory_space<vmem>>, vector<10000x128xf32>
    tpu.vector_store %arg6[%swap3A_39, %swap3A_40], %add3A_38 {strides = array<i32>} : memref<10000x128xf32, #tpu.memory_space<vmem>>, vector<10000x128xf32>,
    return
  }
}

</mosaic_0001>

<sc_bundles>
// kernel: kernel.6.cloned.1.call-start
scs
__scs_entry_jumppad:
0x0: {  	(pc) =	sbr.rel $0x88, $3  }
0x1: {  	(tag) =	ssettag $0x0;
	lr =	simm.s32 $0x1  }
0x2: {  	[smem:$0x3F95] =	sst lr;
	_ =	strace $0xD0000000  }
0x3: {  	_ = 	snop  }
0x4: {  	_ = 	snop  }
0x5: {  	_ = 	snop  }
0x6: {  	_ = 	snop  }
0x7: {  	_ = 	snop  }
__scs_overlays_trampoline_lowered:
0x8: {  	[smem:$0x3FA4] =	sst s0  }
0x9: {  	[smem:$0x3FA5] =	sst s1  }
0xa: {  	[smem:$0x3FA6] =	sst s2  }
0xb: {  	[smem:$0x3FA7] =	sst s3  }
0xc: {  	[smem:$0x3FA8] =	sst s4  }
0xd: {  	[smem:$0x3FA9] =	sst s5  }
0xe: {  	[smem:$0x3FAA] =	sst s6  }
0xf: {  	[smem:$0x3FAB] =	sst s7  }
0x10: {  	[smem:$0x3FAC] =	sst s8  }
0x11: {  	[smem:$0x3FAD] =	sst s9;
	s0 =	simm.s32 @!p0 $0x0  }
0x12: {  	s1 =	sld [smem:$0x3F93];
	s0 =	simm.s32 @p0 $0x1  }
0x13: {  	[smem:$0x3FAE] =	sst s0;
	s0 =	simm.s32 @!p1 $0x0  }
0x14: {  	s2 =	sld [smem:$0x3F92];
	s0 =	simm.s32 @p1 $0x1  }
0x15: {  	[smem:$0x3FAF] =	sst s0;
	s0 =	simm.s32 @!p2 $0x0  }
0x16: {  	s3 =	sld [smem:$0x3FDB];
	s0 =	simm.s32 @p2 $0x1  }
0x17: {  	s4 =	simm.s32 $0x1BF5;
	[smem:$0x3FB1] =	sst s0  }
0x18: {  	s0 =	sld [smem:$0x3F94];
	_ =	swait.ge [sflag:s4], $0x0  }
0x19: {  	s7 =	sld [smem:$0x3F95]  }
0x1a: {  	s8 =	sadd.s32 $0xFFFFE003, lr  }
0x1b: {  	s9 =	sadd.s32 $0xFFFFFEF7, lr;
	s5 =	simm.s32 $0xFFFFFFFF;
	p2 =	slt.u32 s8, $0xFFFFF086  }
0x1c: {  	p1 =	slt.u32 s9, $0xF7A;
	s5 =	simm.s32 @!p2 $0x0  }
0x1d: {  	s5 =	simm.s32 @p1 $0x1;
	p0 =	seq.s32 s7, s2  }
0x1e: {  	s7 =	smul.u32 @!p0 $0xF7A, s2;
	p2 =	seq.s32 @!p0 s5, $0x0  }
0x1f: {  	s9 =	smul.u32 $0xF7A, s1;
	s8 =	simm.s32 @!p0 $0x1BF5;
	p2 =	por !p2, p0  }
0x20: {  	[sflag:s8] =	ssyncset.s32 @!p0 $0xFFFFF086;
	s6 =	sadd.s32 @!p0 s3, s7;
	s7 =	simm.s32 @!p0 $0x108  }
0x21: {  	s3 =	sadd.s32 s3, s9;
	s6 =	sadd.s32 @!p0 $0x88, s6;
	s7 =	simm.s32 @p2 $0x1082  }
0x22: {  	[simem:s7], [sflag:s8] =	dma.local @!p0 [hbm:s6], $0xF7A  }
0x23: {  	s9 =	sor.u32 $0xD0000000, s2;
	s6 =	simm.s32 $0x108;
	_ =	swait.ge @!p0 [sflag:s8], $0x0  }
0x24: {  	s3 =	sadd.s32 $0x88, s3;
	s6 =	simm.s32 @!p1 $0x1082;
	[sflag:s4] =	ssyncset.s32 $0xFFFFF086  }
0x25: {  	[simem:s6], [sflag:s4] =	dma.local [hbm:s3], $0xF7A  }
0x26: {  	[smem:$0x3F95] =	sst s1;
	(tag) =	ssettag s2;
	_ =	strace s9  }
0x27: {  	s1 =	sld [smem:$0x3FA5]  }
0x28: {  	s2 =	sld [smem:$0x3FA6]  }
0x29: {  	s4 =	sld [smem:$0x3FA8]  }
0x2a: {  	p0 =	seq.s32 s5, $0x0;
	s5 =	sld [smem:$0x3FA9]  }
0x2b: {  	s6 =	sld [smem:$0x3FAA]  }
0x2c: {  	s7 =	sld [smem:$0x3FAB]  }
0x2d: {  	s3 =	simm.s32 $0x108;
	s8 =	sld [smem:$0x3FAC]  }
0x2e: {  	s3 =	simm.s32 @!p0 $0x1082;
	s9 =	sld [smem:$0x3FAD]  }
0x2f: {  	lr =	sadd.s32 s0, s3;
	s0 =	sld [smem:$0x3FA4]  }
0x30: {  	s3 =	sld [smem:$0x3FA7]  }
0x31: {  	[smem:$0x3FB0] =	sst s10  }
0x32: {  	s10 =	sld [smem:$0x3FAE];
	_ =	sdelay $0x3  }
0x33: {  	p0 =	seq.s32 s10, $0x1;
	s10 =	sld [smem:$0x3FB0];
	_ =	sdelay $0x3  }
0x34: {  	[smem:$0x3FB0] =	sst s10  }
0x35: {  	s10 =	sld [smem:$0x3FAF];
	_ =	sdelay $0x3  }
0x36: {  	p1 =	seq.s32 s10, $0x1;
	s10 =	sld [smem:$0x3FB0];
	_ =	sdelay $0x3  }
0x37: {  	[smem:$0x3FB0] =	sst s10  }
0x38: {  	s10 =	sld [smem:$0x3FB1]  }
0x39: {  	_ = 	snop;
	(pc) =	sbr.ind lr, $3  }
0x3a: {  	_ = 	snop  }
0x3b: {  	_ = 	snop  }
0x3c: {  	p2 =	seq.s32 s10, $0x1;
	s10 =	sld [smem:$0x3FB0]  }
0x3d: {  	_ =	shalt  }
0x3e: {  	_ =	shalt  }
0x3f: {  	_ =	shalt  }
0x40: {  	_ =	shalt  }
0x41: {  	_ =	shalt  }
0x42: {  	_ =	shalt  }
0x43: {  	_ =	shalt  }
0x44: {  	_ =	shalt  }
0x45: {  	_ =	shalt  }
0x46: {  	_ =	shalt  }
0x47: {  	_ =	shalt  }
0x48: {  	_ =	shalt  }
0x49: {  	_ =	shalt  }
0x4a: {  	_ =	shalt  }
0x4b: {  	_ =	shalt  }
0x4c: {  	_ =	shalt  }
0x4d: {  	_ =	shalt  }
0x4e: {  	_ =	shalt  }
0x4f: {  	_ =	shalt  }
0x50: {  	_ =	shalt  }
0x51: {  	_ =	shalt  }
0x52: {  	_ =	shalt  }
0x53: {  	_ =	shalt  }
0x54: {  	_ =	shalt  }
0x55: {  	_ =	shalt  }
0x56: {  	_ =	shalt  }
0x57: {  	_ =	shalt  }
0x58: {  	_ =	shalt  }
0x59: {  	_ =	shalt  }
0x5a: {  	_ =	shalt  }
0x5b: {  	_ =	shalt  }
0x5c: {  	_ =	shalt  }
0x5d: {  	_ =	shalt  }
0x5e: {  	_ =	shalt  }
0x5f: {  	_ =	shalt  }
0x60: {  	_ =	shalt  }
0x61: {  	_ =	shalt  }
0x62: {  	_ =	shalt  }
0x63: {  	_ =	shalt  }
0x64: {  	_ =	shalt  }
0x65: {  	_ =	shalt  }
0x66: {  	_ =	shalt  }
0x67: {  	_ =	shalt  }
0x68: {  	_ =	shalt  }
0x69: {  	_ =	shalt  }
0x6a: {  	_ =	shalt  }
0x6b: {  	_ =	shalt  }
0x6c: {  	_ =	shalt  }
0x6d: {  	_ =	shalt  }
0x6e: {  	_ =	shalt  }
0x6f: {  	_ =	shalt  }
0x70: {  	_ =	shalt  }
0x71: {  	_ =	shalt  }
0x72: {  	_ =	shalt  }
0x73: {  	_ =	shalt  }
0x74: {  	_ =	shalt  }
0x75: {  	_ =	shalt  }
0x76: {  	_ =	shalt  }
0x77: {  	_ =	shalt  }
0x78: {  	_ =	shalt  }
0x79: {  	_ =	shalt  }
0x7a: {  	_ =	shalt  }
0x7b: {  	_ =	shalt  }
0x7c: {  	_ =	shalt  }
0x7d: {  	_ =	shalt  }
0x7e: {  	_ =	shalt  }
0x7f: {  	_ =	shalt  }
0x80: {  	_ =	shalt  }
0x81: {  	_ =	shalt  }
0x82: {  	_ =	shalt  }
0x83: {  	_ =	shalt  }
0x84: {  	_ =	shalt  }
0x85: {  	_ =	shalt  }
0x86: {  	_ =	shalt  }
0x87: {  	_ =	shalt  }
.Lfunc_end0:
.L_simem_size_0:
called_computation_lowered:
.L_overlay_start_0:
0x88: {  	s2 =	sld [smem:$0x3FD9]  }
0x89: {  	s3 =	sld [smem:$0x3FFE];
	_ =	sdelay $0x1  }
0x8a: {  	s1 =	srdreg.scid  }
0x8b: {  	s0 =	sand.u32 $0x1, s1  }
0x8c: {  	s14 =	sshll.u32 s0, $0xA;
	s2 =	sadd.s32 s3, s2  }
0x8d: {  	s2 =	sadd.s32 s2, s14  }
0x8e: {  	[smem:$0x3FBC] =	sst s2  }
0x8f: {  	_ = 	snop  }
0x90: {  	s2 =	sld [smem:$0x3FD0];
	_ =	sdelay $0x2  }
0x91: {  	s15 =	simm.s32 $0xA;
	s4 =	simm.s32 $0x10  }
0x92: {  	[smem:s4], [sflag:s15] =	dma.local [hbm:s2], $0x1  }
0x93: {  	_ =	swait.eq [sflag:s15], $0x1  }
0x94: {  	[sflag:s15] =	ssyncset.done $0x0  }
0x95: {  	[sflag:s15] =	ssyncadd.s32 $0xFFFFFFFF  }
0x96: {  	s16 =	sld [smem:$0x10];
	(tm) =	ssettm $0x1  }
0x97: {  	s17 =	sld [smem:$0x3FFB];
	_ =	sdelay $0x3  }
0x98: {  	_ =	strace s17  }
0x99: {  	s3 =	sld [smem:$0x3FFC];
	_ =	sdelay $0x3  }
0x9a: {  	_ =	strace s3  }
0x9b: {  	s3 =	sld [smem:$0x3FFD];
	_ =	sdelay $0x3  }
0x9c: {  	_ =	strace s3  }
0x9d: {  	_ =	strace $0x8FFFFFFF  }
0x9e: {  	s18 =	sld [smem:$0x3FDB];
	_ =	sdelay $0x1  }
0x9f: {  	s19 =	simm.s32 $_scs_section_size  }
0xa0: {  	s5 =	simm.s32 $_size__tile_overlayer_lowered;
	s6 =	simm.s32 $_tile_overlayer_lowered  }
0xa1: {  	s22 =	simm.s32 $0x1BFF;
	s21 =	sshll.u32 s6, $0x1;
	s3 =	sadd.s32 s19, s18  }
0xa2: {  	s7 =	simm.s32 $0x0;
	s20 =	sshll.u32 s5, $0x1;
	s5 =	sadd.s32 s21, s3  }
0xa3: {  	[timem:s7], [sflag:s22] =	dma.local [hbm:s5], s20  }
0xa4: {  	_ =	swait.ge [sflag:s22], s20  }
0xa5: {  	s4 =	ssub.s32 $0x0, s20;
	[sflag:s22] =	ssyncset.done $0x0  }
0xa6: {  	[sflag:s22] =	ssyncadd.s32 s4;
	_ =	sdelay $0x1  }
0xa7: {  	s23 =	simm.s32 $0x1B8B  }
0xa8: {  	_ =	swait.ge [sflag:s23], $0x1  }
0xa9: {  	[sflag:s23] =	ssyncset.done $0x0  }
0xaa: {  	s25 =	simm.s32 $0x1B8E;
	s24 =	sld [smem:$0x3FFE];
	[sflag:s23] =	ssyncadd.s32 $0xFFFFFFFF  }
0xab: {  	s26 =	simm.s32 $execute0_lowered;
	[smem:$0x3FD2] =	sst s25  }
0xac: {  	s5 =	sshll.u32 s26, $0x1;
	_ =	strace $0x80000046;
	[dreg:$0x1] =	wrdreg $0xFFFFFFFF  }
0xad: {  	s28 =	simm.s32 $_size_execute0_lowered;
	s3 =	sadd.s32 s3, s5;
	[dreg:$0x0] =	wrdreg $0x0  }
0xae: {  	s5 =	sshll.u32 s28, $0x1;
	[dreg:$0x2] =	wrdreg s3  }
0xaf: {  	[dreg:$0x3] =	wrdreg s5  }
0xb0: {  	[dreg:$0x4] =	wrdreg $0xC0  }
0xb1: {  	_ =	task [dreg:s7], $0x5FFFF  }
0xb2: {  	[dreg:$0x1] =	wrdreg $0xFFFFFFFF  }
0xb3: {  	[dreg:$0x0] =	wrdreg $0x60  }
0xb4: {  	[dreg:$0x2] =	wrdreg s24  }
0xb5: {  	[dreg:$0x3] =	wrdreg s16  }
0xb6: {  	[dreg:$0x4] =	wrdreg $0x58000  }
0xb7: {  	[dreg:$0x5] =	wrdreg $0x9  }
0xb8: {  	_ =	task.clear_ibuf [dreg:s7], $0x6FFFF;
	_ =	strace $0x90000046  }
0xb9: {  	s29 =	simm.s32 $0x9;
	_ =	strace $0x80000048  }
0xba: {  	_ =	swait.ge [sflag:s29], $0x1  }
0xbb: {  	[sflag:s29] =	ssyncadd.s32 $0xFFFFFFFF  }
0xbc: {  	_ =	strace $0x90000048  }
0xbd: {  	_ =	sfence  }
0xbe: {  	s30 =	sld [smem:$0x0];
	_ =	sdelay $0x2  }
0xbf: {  	s31 =	sshll.u32 s1, $0xD;
	s1 =	sshrl.u32 s1, $0x2  }
0xc0: {  	s3 =	sand.u32 $0x4000, s31;
	s1 =	sadd.s32 s1, s30  }
0xc1: {  	s0 =	sor.u32 s3, s0;
	s1 =	sshll.u32 s1, $0x11  }
0xc2: {  	s0 =	sor.u32 s1, s0  }
0xc3: {  	s0 =	sadd.s32 $0x8F2B, s0  }
0xc4: {  	[sflag:s0] =	ssyncadd.remote.s32 $0x1  }
0xc5: {  	_ =	sfence.sel $0xFFFF  }
0xc6: {  	[dreg:$0x0] =	wrdreg $0xFFFFFFFF;
	(pc) =	sbr.abs _section_cstart, $3  }
0xc7: {  	[dreg:$0x1] =	wrdreg $0xFFFFFFFF  }
0xc8: {  	_ =	task.clear_ibuf [dreg:s7], $0x2FFFF;
	_ =	strace $0x9FFFFFFF  }
0xc9: {  	(tm) =	ssettm $0x7FFFFFFF  }
tec
execute0_lowered:
.L_overlay_start_1:
0x0: {  	(tag) =	ssettag $0x1  }
0x1: {  	s8 =	rddreg [dreg:$0x0]  }
0x2: {  	s2 =	rddreg [dreg:$0x1]  }
0x3: {  	s3 =	rddreg [dreg:$0x2]  }
0x4: {  	s0 =	rddreg [dreg:$0x3]  }
0x5: {  	s5 =	srdreg.scid;
	s1 =	stileid.u32  }
0x6: {  	s4 =	simm.s32 $0x0;
	s14 =	simm.s32 $0x800;
	s15 =	simm.s32 $0x40  }
0x7: {  	s16 =	simm.s32 $0x1000;
	s17 =	simm.s32 $0x3400;
	s18 =	simm.s32 $0x1  }
0x8: {  	s19 =	simm.s32 $0x2;
	s20 =	simm.s32 $0x3;
	s21 =	simm.s32 $0x4  }
0x9: {  	s9 =	sand.u32 $0x1, s5;
	s10 =	smul.u32 $0x16380, s1;
	[smem:$0x7FF] =	sst s4  }
0xa: {  	s5 =	sadd.s32 $0x1C00, s8;
	s6 =	sadd.s32 $0x2DC00, s8;
	s13 =	sshll.u32 s1, $0x1  }
0xb: {  	s30 =	sshll.u32 s1, $0x6;
	s7 =	smul.u32 $0x163800, s9;
	_ =	strace $0x80000047  }
0xc: {  	s12 =	ssub.s32 $0x2, s9;
	s9 =	sor.u32 s9, s13;
	s13 =	simm.s32 $0x5  }
0xd: {  	s29 =	sshrl.u32 s12, $0x1;
	s31 =	sadd.s32 s10, s3;
	s11 =	sadd.s32 s10, s7  }
0xe: {  	s9 =	smul.u32 $0x2800, s9;
	s7 =	sadd.s32 $0x37C00, s8;
	s11 =	sshrl.u32 s11, $0x3  }
0xf: {  	s12 =	ssub.s32 s12, s29;
	s11 =	sadd.s32 s11, s8;
	s8 =	sor.u32 $0x1C05, s30  }
0x10: {  	s10 =	sadd.s32 $0x3AA00, s11;
	s11 =	smax.u32 s12, $0x1;
	s12 =	sshrl.u32 s31, $0x3  }
.LBB2_1:
0x11: {  	[spmem:s12], [sflag:s8] =	dma.local [hbm:s7], $0x2C70  }
0x12: {  	_ =	swait.ge [sflag:s13], $0x2C70  }
0x13: {  	[sflag:s13] =	ssyncset.done $0x0  }
0x14: {  	[sflag:s13] =	ssyncadd.s32 $0xFFFFD390  }
0x15: {  	s22 =	simm.s32 $0x0;
	[bflag:$0x0] =	sbarrier.arrive $0xFFFF  }
.LBB2_2:
0x16: {  	s23 =	sshll.u32 s22, $0xB  }
0x17: {  	s23 =	sadd.s32 s9, s23  }
0x18: {  	s23 =	sshrl.u32 s23, $0x3  }
0x19: {  	s25 =	simm.s32 $0x0;
	s24 =	sadd.s32 s2, s23  }
0x1a: {  	[tilespmem:s25], [sflag:$0x5] =	stream.linear.gather [hbm4b:s24+s25], $0x800, $0x38;
	[tilespmem:$0x1BB80] =	vst v63  }
0x1b: {  	_ =	swait.ge [sflag:s13], $0x800  }
0x1c: {  	[sflag:s13] =	ssyncset.done $0x0  }
0x1d: {  	s23 =	sadd.s32 s6, s23;
	[sflag:s13] =	ssyncadd.s32 $0xFFFFF800  }
0x1e: {  	[tilespmem:s14], [sflag:$0x5] =	stream.linear.gather [hbm4b:s23+s25], $0x800, $0x38;
	[tilespmem:$0x1BB80] =	vst v63  }
0x1f: {  	_ =	swait.ge [sflag:s13], $0x800  }
0x20: {  	[sflag:s13] =	ssyncset.done $0x0  }
0x21: {  	s28 =	simm.s32 $0x0;
	[sflag:s13] =	ssyncadd.s32 $0xFFFFF800  }
0x22: {  	[tilespmem:s16], [sflag:$0x1] =	stream.indirect.gather [hbm4b:s5+s15], $0x90, s28, s15, $0xb8;
	[tilespmem:$0x1BB80] =	vst v63  }
0x23: {  	s29 =	simm.s32 $0x40  }
0x24: {  	[tilespmem:s17], [sflag:$0x2] =	stream.indirect.gather [hbm4b:s5+s15], $0x90, s29, s15, $0xb8;
	[tilespmem:$0x1BB80] =	vst v63  }
0x25: {  	_ =	swait.ge [sflag:s18], $0x2400  }
0x26: {  	[sflag:s18] =	ssyncset.done $0x0  }
0x27: {  	s30 =	simm.s32 $0x800;
	[sflag:s18] =	ssyncadd.s32 $0xFFFFDC00  }
0x28: {  	[spmem:s3] =	stream.indirect.scatter.add.f32 [tilespmem:s16], [sflag:$0x3], $0x90, s30, s15, $0xb8;
	[tilespmem:$0x1BB80] =	vst v63  }
0x29: {  	_ =	swait.ge [sflag:s19], $0x2400  }
0x2a: {  	[sflag:s19] =	ssyncset.done $0x0  }
0x2b: {  	s31 =	simm.s32 $0x840;
	[sflag:s19] =	ssyncadd.s32 $0xFFFFDC00  }
0x2c: {  	[spmem:s3] =	stream.indirect.scatter.add.f32 [tilespmem:s17], [sflag:$0x4], $0x90, s31, s15, $0xb8;
	[tilespmem:$0x1BB80] =	vst v63  }
0x2d: {  	_ =	swait.ge [sflag:s20], $0x2400  }
0x2e: {  	[sflag:s20] =	ssyncset.done $0x0  }
0x2f: {  	[sflag:s20] =	ssyncadd.s32 $0xFFFFDC00  }
0x30: {  	_ =	swait.ge [sflag:s21], $0x2400  }
0x31: {  	s24 =	simm.s32 $0x400;
	s23 =	simm.s32 $0x200;
	[sflag:s21] =	ssyncset.done $0x0  }
.LBB2_3:
0x32: {  	s25 =	sshra.s32 s23, $0x2  }
0x33: {  	[sflag:s21] =	ssyncadd.s32 $0xFFFFDC00;
	s23 =	smov.u32 s24;
	s26 =	sadd.s32 $0x200, s24  }
0x34: {  	[tilespmem:s16], [sflag:$0x1] =	stream.indirect.gather [hbm4b:s5+s15], $0x90, s25, s15, $0xb8;
	[tilespmem:$0x1BB80] =	vst v63  }
0x35: {  	p0 =	sne.s32 s24, $0x1E00;
	s24 =	sadd.s32 $0x40, s25  }
0x36: {  	[tilespmem:s17], [sflag:$0x2] =	stream.indirect.gather [hbm4b:s5+s15], $0x90, s24, s15, $0xb8;
	[tilespmem:$0x1BB80] =	vst v63  }
0x37: {  	_ =	swait.ge [sflag:s18], $0x2400  }
0x38: {  	[sflag:s18] =	ssyncset.done $0x0  }
0x39: {  	s24 =	sadd.s32 $0x800, s25;
	[sflag:s18] =	ssyncadd.s32 $0xFFFFDC00  }
0x3a: {  	[spmem:s3] =	stream.indirect.scatter.add.f32 [tilespmem:s16], [sflag:$0x3], $0x90, s24, s15, $0xb8;
	[tilespmem:$0x1BB80] =	vst v63  }
0x3b: {  	_ =	swait.ge [sflag:s19], $0x2400  }
0x3c: {  	[sflag:s19] =	ssyncset.done $0x0  }
0x3d: {  	s24 =	sadd.s32 $0x840, s25;
	[sflag:s19] =	ssyncadd.s32 $0xFFFFDC00  }
0x3e: {  	[spmem:s3] =	stream.indirect.scatter.add.f32 [tilespmem:s17], [sflag:$0x4], $0x90, s24, s15, $0xb8;
	[tilespmem:$0x1BB80] =	vst v63  }
.Ltmp0:
0x3f: {  	_ =	swait.ge [sflag:s20], $0x2400;
	(pc) =	sbr.rel @p0 .LBB2_3-.Ltmp0, $4  }
0x40: {  	[sflag:s20] =	ssyncset.done $0x0  }
0x41: {  	[sflag:s20] =	ssyncadd.s32 $0xFFFFDC00  }
0x42: {  	_ =	swait.ge [sflag:s21], $0x2400  }
0x43: {  	s24 =	smov.u32 s26;
	[sflag:s21] =	ssyncset.done $0x0  }
0x44: {  	s23 =	sshra.s32 s23, $0x2;
	[sflag:s21] =	ssyncadd.s32 $0xFFFFDC00  }
0x45: {  	[tilespmem:s16], [sflag:$0x1] =	stream.indirect.gather [hbm4b:s5+s15], $0x90, s23, s15, $0xb8;
	[tilespmem:$0x1BB80] =	vst v63  }
0x46: {  	s24 =	sadd.s32 $0x40, s23  }
0x47: {  	[tilespmem:s17], [sflag:$0x2] =	stream.indirect.gather [hbm4b:s5+s15], $0x90, s24, s15, $0xb8;
	[tilespmem:$0x1BB80] =	vst v63  }
0x48: {  	_ =	swait.ge [sflag:s18], $0x2400  }
0x49: {  	[sflag:s18] =	ssyncset.done $0x0  }
0x4a: {  	s31 =	sadd.s32 $0x800, s23;
	[sflag:s18] =	ssyncadd.s32 $0xFFFFDC00  }
0x4b: {  	[spmem:s3] =	stream.indirect.scatter.add.f32 [tilespmem:s16], [sflag:$0x3], $0x90, s31, s15, $0xb8;
	[tilespmem:$0x1BB80] =	vst v63  }
0x4c: {  	_ =	swait.ge [sflag:s19], $0x2400  }
0x4d: {  	[sflag:s19] =	ssyncset.done $0x0  }
0x4e: {  	s22 =	sadd.s32 $0x1, s22;
	s23 =	sadd.s32 $0x840, s23;
	[sflag:s19] =	ssyncadd.s32 $0xFFFFDC00  }
0x4f: {  	[spmem:s3] =	stream.indirect.scatter.add.f32 [tilespmem:s17], [sflag:$0x4], $0x90, s23, s15, $0xb8;
	[tilespmem:$0x1BB80] =	vst v63  }
0x50: {  	p0 =	sne.s32 s22, $0x5;
	_ =	swait.ge [sflag:s20], $0x2400  }
.Ltmp1:
0x51: {  	[sflag:s20] =	ssyncset.done $0x0;
	(pc) =	sbr.rel @p0 .LBB2_2-.Ltmp1, $4  }
0x52: {  	[sflag:s20] =	ssyncadd.s32 $0xFFFFDC00  }
0x53: {  	_ =	swait.ge [sflag:s21], $0x2400  }
0x54: {  	[sflag:s21] =	ssyncset.done $0x0  }
0x55: {  	[sflag:s21] =	ssyncadd.s32 $0xFFFFDC00  }
0x56: {  	s4 =	sadd.s32 $0x1, s4  }
0x57: {  	p0 =	sne.s32 s4, s11  }
.Ltmp2:
0x58: {  	[bflag:$0x0] =	sbarrier.arrive $0xFFFF;
	(pc) =	sbr.rel @p0 .LBB2_1-.Ltmp2, $4  }
0x59: {  	[hbm:s10], [sflag:s8] =	dma.local [spmem:s12], $0x2C70  }
0x5a: {  	_ =	swait.ge [sflag:s13], $0x2C70  }
0x5b: {  	[sflag:s13] =	ssyncset.done $0x0  }
0x5c: {  	[sflag:s13] =	ssyncadd.s32 $0xFFFFD390  }
0x5d: {  	_ =	sfence.sel $0x180000  }
0x5e: {  	[bflag:$0x0] =	sbarrier.arrive $0xFFFF  }
0x5f: {  	p0 =	sne.s32 s1, $0x0;
	_ =	strace $0x90000047  }
0x60: {  	s0 =	sadd.s32 @!p0 $0x100000, s0;
	[bflag:$0x2] =	sbarrier.arrive $0xFFFF  }
0x61: {  	[sflag:s0] =	ssyncadd.tile.s32 @!p0 $0x1;
	_ =	shalt  }
.Lfunc_end2:
_tile_overlayer_lowered:
.L_overlay_start_2:
0x62: {  	(tag) =	ssettag $0x2  }
0x63: {  	s0 =	rddreg [dreg:$0x0];
	s2 =	stileid.u32  }
0x64: {  	s1 =	rddreg [dreg:$0x1];
	p0 =	sne.s32 s2, $0x0  }
0x65: {  	s3 =	rddreg [dreg:$0x2];
	[bflag:$0x3] =	sbarrier.arrive $0xFFFF;
	s2 =	simm.s32 @!p0 $0x1C05  }
0x66: {  	[timem:s3], [sflag:s2] =	dma.local @!p0 [hbm:s0], s1  }
0x67: {  	s0 =	simm.s32 @!p0 $0x5  }
0x68: {  	_ =	swait.ge @!p0 [sflag:s0], s1  }
0x69: {  	s1 =	ssub.s32 @!p0 $0x0, s1;
	[sflag:s0] =	ssyncset.done @!p0 $0x0  }
0x6a: {  	[sflag:s0] =	ssyncadd.s32 @!p0 s1  }
0x6b: {  	[bflag:$0x3] =	sbarrier.arrive $0xFFFF  }
0x6c: {  	_ =	shalt  }

// kernel: kernel.9.cloned.1.call-start
scs
__scs_entry_jumppad:
0x0: {  	(pc) =	sbr.rel $0x88, $3  }
0x1: {  	(tag) =	ssettag $0x0;
	lr =	simm.s32 $0x1  }
0x2: {  	[smem:$0x3F95] =	sst lr;
	_ =	strace $0xD0000000  }
0x3: {  	_ = 	snop  }
0x4: {  	_ = 	snop  }
0x5: {  	_ = 	snop  }
0x6: {  	_ = 	snop  }
0x7: {  	_ = 	snop  }
__scs_overlays_trampoline_lowered:
0x8: {  	[smem:$0x3FA4] =	sst s0  }
0x9: {  	[smem:$0x3FA5] =	sst s1  }
0xa: {  	[smem:$0x3FA6] =	sst s2  }
0xb: {  	[smem:$0x3FA7] =	sst s3  }
0xc: {  	[smem:$0x3FA8] =	sst s4  }
0xd: {  	[smem:$0x3FA9] =	sst s5  }
0xe: {  	[smem:$0x3FAA] =	sst s6  }
0xf: {  	[smem:$0x3FAB] =	sst s7  }
0x10: {  	[smem:$0x3FAC] =	sst s8  }
0x11: {  	[smem:$0x3FAD] =	sst s9;
	s0 =	simm.s32 @!p0 $0x0  }
0x12: {  	s1 =	sld [smem:$0x3F93];
	s0 =	simm.s32 @p0 $0x1  }
0x13: {  	[smem:$0x3FAE] =	sst s0;
	s0 =	simm.s32 @!p1 $0x0  }
0x14: {  	s2 =	sld [smem:$0x3F92];
	s0 =	simm.s32 @p1 $0x1  }
0x15: {  	[smem:$0x3FAF] =	sst s0;
	s0 =	simm.s32 @!p2 $0x0  }
0x16: {  	s3 =	sld [smem:$0x3FDB];
	s0 =	simm.s32 @p2 $0x1  }
0x17: {  	s4 =	simm.s32 $0x1BF5;
	[smem:$0x3FB1] =	sst s0  }
0x18: {  	s0 =	sld [smem:$0x3F94];
	_ =	swait.ge [sflag:s4], $0x0  }
0x19: {  	s7 =	sld [smem:$0x3F95]  }
0x1a: {  	s8 =	sadd.s32 $0xFFFFE003, lr  }
0x1b: {  	s9 =	sadd.s32 $0xFFFFFEF7, lr;
	s5 =	simm.s32 $0xFFFFFFFF;
	p2 =	slt.u32 s8, $0xFFFFF086  }
0x1c: {  	p1 =	slt.u32 s9, $0xF7A;
	s5 =	simm.s32 @!p2 $0x0  }
0x1d: {  	s5 =	simm.s32 @p1 $0x1;
	p0 =	seq.s32 s7, s2  }
0x1e: {  	s7 =	smul.u32 @!p0 $0xF7A, s2;
	p2 =	seq.s32 @!p0 s5, $0x0  }
0x1f: {  	s9 =	smul.u32 $0xF7A, s1;
	s8 =	simm.s32 @!p0 $0x1BF5;
	p2 =	por !p2, p0  }
0x20: {  	[sflag:s8] =	ssyncset.s32 @!p0 $0xFFFFF086;
	s6 =	sadd.s32 @!p0 s3, s7;
	s7 =	simm.s32 @!p0 $0x108  }
0x21: {  	s3 =	sadd.s32 s3, s9;
	s6 =	sadd.s32 @!p0 $0x88, s6;
	s7 =	simm.s32 @p2 $0x1082  }
0x22: {  	[simem:s7], [sflag:s8] =	dma.local @!p0 [hbm:s6], $0xF7A  }
0x23: {  	s9 =	sor.u32 $0xD0000000, s2;
	s6 =	simm.s32 $0x108;
	_ =	swait.ge @!p0 [sflag:s8], $0x0  }
0x24: {  	s3 =	sadd.s32 $0x88, s3;
	s6 =	simm.s32 @!p1 $0x1082;
	[sflag:s4] =	ssyncset.s32 $0xFFFFF086  }
0x25: {  	[simem:s6], [sflag:s4] =	dma.local [hbm:s3], $0xF7A  }
0x26: {  	[smem:$0x3F95] =	sst s1;
	(tag) =	ssettag s2;
	_ =	strace s9  }
0x27: {  	s1 =	sld [smem:$0x3FA5]  }
0x28: {  	s2 =	sld [smem:$0x3FA6]  }
0x29: {  	s4 =	sld [smem:$0x3FA8]  }
0x2a: {  	p0 =	seq.s32 s5, $0x0;
	s5 =	sld [smem:$0x3FA9]  }
0x2b: {  	s6 =	sld [smem:$0x3FAA]  }
0x2c: {  	s7 =	sld [smem:$0x3FAB]  }
0x2d: {  	s3 =	simm.s32 $0x108;
	s8 =	sld [smem:$0x3FAC]  }
0x2e: {  	s3 =	simm.s32 @!p0 $0x1082;
	s9 =	sld [smem:$0x3FAD]  }
0x2f: {  	lr =	sadd.s32 s0, s3;
	s0 =	sld [smem:$0x3FA4]  }
0x30: {  	s3 =	sld [smem:$0x3FA7]  }
0x31: {  	[smem:$0x3FB0] =	sst s10  }
0x32: {  	s10 =	sld [smem:$0x3FAE];
	_ =	sdelay $0x3  }
0x33: {  	p0 =	seq.s32 s10, $0x1;
	s10 =	sld [smem:$0x3FB0];
	_ =	sdelay $0x3  }
0x34: {  	[smem:$0x3FB0] =	sst s10  }
0x35: {  	s10 =	sld [smem:$0x3FAF];
	_ =	sdelay $0x3  }
0x36: {  	p1 =	seq.s32 s10, $0x1;
	s10 =	sld [smem:$0x3FB0];
	_ =	sdelay $0x3  }
0x37: {  	[smem:$0x3FB0] =	sst s10  }
0x38: {  	s10 =	sld [smem:$0x3FB1]  }
0x39: {  	_ = 	snop;
	(pc) =	sbr.ind lr, $3  }
0x3a: {  	_ = 	snop  }
0x3b: {  	_ = 	snop  }
0x3c: {  	p2 =	seq.s32 s10, $0x1;
	s10 =	sld [smem:$0x3FB0]  }
0x3d: {  	_ =	shalt  }
0x3e: {  	_ =	shalt  }
0x3f: {  	_ =	shalt  }
0x40: {  	_ =	shalt  }
0x41: {  	_ =	shalt  }
0x42: {  	_ =	shalt  }
0x43: {  	_ =	shalt  }
0x44: {  	_ =	shalt  }
0x45: {  	_ =	shalt  }
0x46: {  	_ =	shalt  }
0x47: {  	_ =	shalt  }
0x48: {  	_ =	shalt  }
0x49: {  	_ =	shalt  }
0x4a: {  	_ =	shalt  }
0x4b: {  	_ =	shalt  }
0x4c: {  	_ =	shalt  }
0x4d: {  	_ =	shalt  }
0x4e: {  	_ =	shalt  }
0x4f: {  	_ =	shalt  }
0x50: {  	_ =	shalt  }
0x51: {  	_ =	shalt  }
0x52: {  	_ =	shalt  }
0x53: {  	_ =	shalt  }
0x54: {  	_ =	shalt  }
0x55: {  	_ =	shalt  }
0x56: {  	_ =	shalt  }
0x57: {  	_ =	shalt  }
0x58: {  	_ =	shalt  }
0x59: {  	_ =	shalt  }
0x5a: {  	_ =	shalt  }
0x5b: {  	_ =	shalt  }
0x5c: {  	_ =	shalt  }
0x5d: {  	_ =	shalt  }
0x5e: {  	_ =	shalt  }
0x5f: {  	_ =	shalt  }
0x60: {  	_ =	shalt  }
0x61: {  	_ =	shalt  }
0x62: {  	_ =	shalt  }
0x63: {  	_ =	shalt  }
0x64: {  	_ =	shalt  }
0x65: {  	_ =	shalt  }
0x66: {  	_ =	shalt  }
0x67: {  	_ =	shalt  }
0x68: {  	_ =	shalt  }
0x69: {  	_ =	shalt  }
0x6a: {  	_ =	shalt  }
0x6b: {  	_ =	shalt  }
0x6c: {  	_ =	shalt  }
0x6d: {  	_ =	shalt  }
0x6e: {  	_ =	shalt  }
0x6f: {  	_ =	shalt  }
0x70: {  	_ =	shalt  }
0x71: {  	_ =	shalt  }
0x72: {  	_ =	shalt  }
0x73: {  	_ =	shalt  }
0x74: {  	_ =	shalt  }
0x75: {  	_ =	shalt  }
0x76: {  	_ =	shalt  }
0x77: {  	_ =	shalt  }
0x78: {  	_ =	shalt  }
0x79: {  	_ =	shalt  }
0x7a: {  	_ =	shalt  }
0x7b: {  	_ =	shalt  }
0x7c: {  	_ =	shalt  }
0x7d: {  	_ =	shalt  }
0x7e: {  	_ =	shalt  }
0x7f: {  	_ =	shalt  }
0x80: {  	_ =	shalt  }
0x81: {  	_ =	shalt  }
0x82: {  	_ =	shalt  }
0x83: {  	_ =	shalt  }
0x84: {  	_ =	shalt  }
0x85: {  	_ =	shalt  }
0x86: {  	_ =	shalt  }
0x87: {  	_ =	shalt  }
.Lfunc_end0:
.L_simem_size_0:
called_computation.1_lowered:
.L_overlay_start_0:
0x88: {  	s2 =	sld [smem:$0x3FD9]  }
0x89: {  	s3 =	sld [smem:$0x3FFE];
	_ =	sdelay $0x1  }
0x8a: {  	s1 =	srdreg.scid  }
0x8b: {  	s0 =	sand.u32 $0x1, s1  }
0x8c: {  	s14 =	sshll.u32 s0, $0xA;
	s2 =	sadd.s32 s3, s2  }
0x8d: {  	s2 =	sadd.s32 s2, s14  }
0x8e: {  	[smem:$0x3FBC] =	sst s2  }
0x8f: {  	_ = 	snop  }
0x90: {  	s2 =	sld [smem:$0x3FD0];
	_ =	sdelay $0x2  }
0x91: {  	s15 =	simm.s32 $0xA;
	s4 =	simm.s32 $0x10  }
0x92: {  	[smem:s4], [sflag:s15] =	dma.local [hbm:s2], $0x1  }
0x93: {  	_ =	swait.eq [sflag:s15], $0x1  }
0x94: {  	[sflag:s15] =	ssyncset.done $0x0  }
0x95: {  	[sflag:s15] =	ssyncadd.s32 $0xFFFFFFFF  }
0x96: {  	s16 =	sld [smem:$0x11];
	(tm) =	ssettm $0x1  }
0x97: {  	s17 =	sld [smem:$0x3FFB];
	_ =	sdelay $0x3  }
0x98: {  	_ =	strace s17  }
0x99: {  	s3 =	sld [smem:$0x3FFC];
	_ =	sdelay $0x3  }
0x9a: {  	_ =	strace s3  }
0x9b: {  	s3 =	sld [smem:$0x3FFD];
	_ =	sdelay $0x3  }
0x9c: {  	_ =	strace s3  }
0x9d: {  	_ =	strace $0x8FFFFFFF  }
0x9e: {  	s18 =	sld [smem:$0x3FDB];
	_ =	sdelay $0x1  }
0x9f: {  	s19 =	simm.s32 $_scs_section_size  }
0xa0: {  	s5 =	simm.s32 $_size__tile_overlayer_lowered;
	s6 =	simm.s32 $_tile_overlayer_lowered  }
0xa1: {  	s22 =	simm.s32 $0x1BFF;
	s21 =	sshll.u32 s6, $0x1;
	s3 =	sadd.s32 s19, s18  }
0xa2: {  	s7 =	simm.s32 $0x0;
	s20 =	sshll.u32 s5, $0x1;
	s5 =	sadd.s32 s21, s3  }
0xa3: {  	[timem:s7], [sflag:s22] =	dma.local [hbm:s5], s20  }
0xa4: {  	_ =	swait.ge [sflag:s22], s20  }
0xa5: {  	s4 =	ssub.s32 $0x0, s20;
	[sflag:s22] =	ssyncset.done $0x0  }
0xa6: {  	[sflag:s22] =	ssyncadd.s32 s4;
	_ =	sdelay $0x1  }
0xa7: {  	s23 =	simm.s32 $0x1B8B  }
0xa8: {  	_ =	swait.ge [sflag:s23], $0x1  }
0xa9: {  	[sflag:s23] =	ssyncset.done $0x0  }
0xaa: {  	s25 =	simm.s32 $0x1B8E;
	s24 =	sld [smem:$0x3FFE];
	[sflag:s23] =	ssyncadd.s32 $0xFFFFFFFF  }
0xab: {  	s26 =	simm.s32 $execute0_lowered;
	[smem:$0x3FD2] =	sst s25  }
0xac: {  	s5 =	sshll.u32 s26, $0x1;
	_ =	strace $0x80000049;
	[dreg:$0x1] =	wrdreg $0xFFFFFFFF  }
0xad: {  	s28 =	simm.s32 $_size_execute0_lowered;
	s3 =	sadd.s32 s3, s5;
	[dreg:$0x0] =	wrdreg $0x0  }
0xae: {  	s5 =	sshll.u32 s28, $0x1;
	[dreg:$0x2] =	wrdreg s3  }
0xaf: {  	[dreg:$0x3] =	wrdreg s5  }
0xb0: {  	[dreg:$0x4] =	wrdreg $0xC0  }
0xb1: {  	_ =	task [dreg:s7], $0x5FFFF  }
0xb2: {  	[dreg:$0x1] =	wrdreg $0xFFFFFFFF  }
0xb3: {  	[dreg:$0x0] =	wrdreg $0x60  }
0xb4: {  	[dreg:$0x2] =	wrdreg s24  }
0xb5: {  	[dreg:$0x3] =	wrdreg s16  }
0xb6: {  	[dreg:$0x4] =	wrdreg $0x68000  }
0xb7: {  	[dreg:$0x5] =	wrdreg $0x9  }
0xb8: {  	_ =	task.clear_ibuf [dreg:s7], $0x6FFFF;
	_ =	strace $0x90000049  }
0xb9: {  	s29 =	simm.s32 $0x9;
	_ =	strace $0x8000004B  }
0xba: {  	_ =	swait.ge [sflag:s29], $0x1  }
0xbb: {  	[sflag:s29] =	ssyncadd.s32 $0xFFFFFFFF  }
0xbc: {  	_ =	strace $0x9000004B  }
0xbd: {  	_ =	sfence  }
0xbe: {  	s30 =	sld [smem:$0x0];
	_ =	sdelay $0x2  }
0xbf: {  	s31 =	sshll.u32 s1, $0xD;
	s1 =	sshrl.u32 s1, $0x2  }
0xc0: {  	s3 =	sand.u32 $0x4000, s31;
	s1 =	sadd.s32 s1, s30  }
0xc1: {  	s0 =	sor.u32 s3, s0;
	s1 =	sshll.u32 s1, $0x11  }
0xc2: {  	s0 =	sor.u32 s1, s0  }
0xc3: {  	s0 =	sadd.s32 $0x8F2B, s0  }
0xc4: {  	[sflag:s0] =	ssyncadd.remote.s32 $0x1  }
0xc5: {  	_ =	sfence.sel $0xFFFF  }
0xc6: {  	[dreg:$0x0] =	wrdreg $0xFFFFFFFF;
	(pc) =	sbr.abs _section_cstart, $3  }
0xc7: {  	[dreg:$0x1] =	wrdreg $0xFFFFFFFF  }
0xc8: {  	_ =	task.clear_ibuf [dreg:s7], $0x2FFFF;
	_ =	strace $0x9FFFFFFF  }
0xc9: {  	(tm) =	ssettm $0x7FFFFFFF  }
tec
execute0_lowered:
.L_overlay_start_1:
0x0: {  	(tag) =	ssettag $0x1  }
0x1: {  	s8 =	rddreg [dreg:$0x0]  }
0x2: {  	s2 =	rddreg [dreg:$0x1]  }
0x3: {  	s3 =	rddreg [dreg:$0x2]  }
0x4: {  	s0 =	rddreg [dreg:$0x3]  }
0x5: {  	s5 =	srdreg.scid;
	s1 =	stileid.u32;
	s4 =	simm.s32 $0x0  }
0x6: {  	s15 =	simm.s32 $0x1400;
	s16 =	simm.s32 $0x80;
	s17 =	simm.s32 $0x2800  }
0x7: {  	s18 =	simm.s32 $0x4800;
	s19 =	simm.s32 $0x1;
	s20 =	simm.s32 $0x2  }
0x8: {  	s21 =	simm.s32 $0x3;
	s22 =	simm.s32 $0x4;
	s9 =	sand.u32 $0x1, s5  }
0x9: {  	s10 =	smul.u32 $0x13C00, s1;
	[smem:$0x7FF] =	sst s4;
	s5 =	sadd.s32 $0x1C00, s8  }
0xa: {  	s6 =	sadd.s32 $0x2DC00, s8;
	s7 =	sadd.s32 $0x93800, s8;
	s11 =	smul.u32 $0x13C000, s9  }
0xb: {  	s31 =	sshll.u32 s1, $0x6;
	_ =	strace $0x8000004A;
	s12 =	ssub.s32 $0x2, s9  }
0xc: {  	s13 =	smul.u32 $0x50000, s9;
	s9 =	sor.u32 $0x1C05, s31;
	s11 =	sadd.s32 s10, s11  }
0xd: {  	s29 =	sshrl.u32 s12, $0x1;
	s30 =	sshrl.u32 s10, $0x1;
	s11 =	sshrl.u32 s11, $0x4  }
0xe: {  	s12 =	ssub.s32 s12, s29;
	s11 =	sadd.s32 s11, s8;
	s8 =	smul.u32 $0x5000, s1  }
0xf: {  	s14 =	sadd.s32 s30, s3;
	s12 =	smax.u32 s12, $0x1;
	s11 =	sadd.s32 $0x37C00, s11  }
0x10: {  	s10 =	sadd.s32 s13, s8;
	s13 =	sshrl.u32 s14, $0x3;
	s14 =	simm.s32 $0x5  }
.LBB2_1:
0x11: {  	[spmem:s13], [sflag:s9] =	dma.local [hbm:s7], $0x13C0  }
0x12: {  	_ =	swait.ge [sflag:s14], $0x13C0  }
0x13: {  	[sflag:s14] =	ssyncset.done $0x0  }
0x14: {  	[sflag:s14] =	ssyncadd.s32 $0xFFFFEC40  }
0x15: {  	s23 =	simm.s32 $0x0;
	[bflag:$0x0] =	sbarrier.arrive $0xFFFF  }
.LBB2_2:
0x16: {  	s24 =	smul.u32 $0x1400, s23;
	_ =	sdelay $0x1  }
0x17: {  	s25 =	sadd.s32 s10, s24  }
0x18: {  	s25 =	sshrl.u32 s25, $0x3  }
0x19: {  	s26 =	simm.s32 $0x0;
	s25 =	sadd.s32 s2, s25  }
0x1a: {  	[tilespmem:s26], [sflag:$0x5] =	stream.linear.gather [hbm4b:s25+s26], $0x1400, $0x38;
	[tilespmem:$0x10600] =	vst v63  }
0x1b: {  	s24 =	sadd.s32 s8, s24;
	_ =	swait.ge [sflag:s14], $0x1400  }
0x1c: {  	s24 =	sshrl.u32 s24, $0x3;
	[sflag:s14] =	ssyncset.done $0x0  }
0x1d: {  	s24 =	sadd.s32 s6, s24;
	[sflag:s14] =	ssyncadd.s32 $0xFFFFEC00  }
0x1e: {  	[tilespmem:s15], [sflag:$0x5] =	stream.linear.gather [hbm4b:s24+s26], $0x1400, $0x38;
	[tilespmem:$0x10600] =	vst v63  }
0x1f: {  	_ =	swait.ge [sflag:s14], $0x1400  }
0x20: {  	[sflag:s14] =	ssyncset.done $0x0  }
0x21: {  	s28 =	simm.s32 $0x0;
	[sflag:s14] =	ssyncadd.s32 $0xFFFFEC00  }
0x22: {  	[tilespmem:s17], [sflag:$0x1] =	stream.indirect.gather [hbm4b:s5+s16], $0x40, s28, s16, $0xb8;
	[tilespmem:$0x10600] =	vst v63  }
0x23: {  	s29 =	simm.s32 $0x80  }
0x24: {  	[tilespmem:s18], [sflag:$0x2] =	stream.indirect.gather [hbm4b:s5+s16], $0x40, s29, s16, $0xb8;
	[tilespmem:$0x10600] =	vst v63  }
0x25: {  	_ =	swait.ge [sflag:s19], $0x2000  }
0x26: {  	[sflag:s19] =	ssyncset.done $0x0  }
0x27: {  	s30 =	simm.s32 $0x1400;
	[sflag:s19] =	ssyncadd.s32 $0xFFFFE000  }
0x28: {  	[spmem:s3] =	stream.indirect.scatter.add.bf16 [tilespmem:s17], [sflag:$0x3], $0x40, s30, s16, $0xb8;
	[tilespmem:$0x10600] =	vst v63  }
0x29: {  	_ =	swait.ge [sflag:s20], $0x2000  }
0x2a: {  	[sflag:s20] =	ssyncset.done $0x0  }
0x2b: {  	s31 =	simm.s32 $0x1480;
	[sflag:s20] =	ssyncadd.s32 $0xFFFFE000  }
0x2c: {  	[spmem:s3] =	stream.indirect.scatter.add.bf16 [tilespmem:s18], [sflag:$0x4], $0x40, s31, s16, $0xb8;
	[tilespmem:$0x10600] =	vst v63  }
0x2d: {  	_ =	swait.ge [sflag:s21], $0x2000  }
0x2e: {  	[sflag:s21] =	ssyncset.done $0x0  }
0x2f: {  	[sflag:s21] =	ssyncadd.s32 $0xFFFFE000  }
0x30: {  	_ =	swait.ge [sflag:s22], $0x2000  }
0x31: {  	s25 =	simm.s32 $0x800;
	s24 =	simm.s32 $0x400;
	[sflag:s22] =	ssyncset.done $0x0  }
.LBB2_3:
0x32: {  	s26 =	sshra.s32 s24, $0x2  }
0x33: {  	[sflag:s22] =	ssyncadd.s32 $0xFFFFE000;
	s24 =	smov.u32 s25;
	s28 =	sadd.s32 $0x400, s25  }
0x34: {  	[tilespmem:s17], [sflag:$0x1] =	stream.indirect.gather [hbm4b:s5+s16], $0x40, s26, s16, $0xb8;
	[tilespmem:$0x10600] =	vst v63  }
0x35: {  	p0 =	sne.s32 s25, $0x4C00;
	s25 =	sadd.s32 $0x80, s26  }
0x36: {  	[tilespmem:s18], [sflag:$0x2] =	stream.indirect.gather [hbm4b:s5+s16], $0x40, s25, s16, $0xb8;
	[tilespmem:$0x10600] =	vst v63  }
0x37: {  	_ =	swait.ge [sflag:s19], $0x2000  }
0x38: {  	[sflag:s19] =	ssyncset.done $0x0  }
0x39: {  	s25 =	sadd.s32 $0x1400, s26;
	[sflag:s19] =	ssyncadd.s32 $0xFFFFE000  }
0x3a: {  	[spmem:s3] =	stream.indirect.scatter.add.bf16 [tilespmem:s17], [sflag:$0x3], $0x40, s25, s16, $0xb8;
	[tilespmem:$0x10600] =	vst v63  }
0x3b: {  	_ =	swait.ge [sflag:s20], $0x2000  }
0x3c: {  	[sflag:s20] =	ssyncset.done $0x0  }
0x3d: {  	s25 =	sadd.s32 $0x1480, s26;
	[sflag:s20] =	ssyncadd.s32 $0xFFFFE000  }
0x3e: {  	[spmem:s3] =	stream.indirect.scatter.add.bf16 [tilespmem:s18], [sflag:$0x4], $0x40, s25, s16, $0xb8;
	[tilespmem:$0x10600] =	vst v63  }
.Ltmp0:
0x3f: {  	_ =	swait.ge [sflag:s21], $0x2000;
	(pc) =	sbr.rel @p0 .LBB2_3-.Ltmp0, $4  }
0x40: {  	[sflag:s21] =	ssyncset.done $0x0  }
0x41: {  	[sflag:s21] =	ssyncadd.s32 $0xFFFFE000  }
0x42: {  	_ =	swait.ge [sflag:s22], $0x2000  }
0x43: {  	s25 =	smov.u32 s28;
	[sflag:s22] =	ssyncset.done $0x0  }
0x44: {  	s24 =	sshra.s32 s24, $0x2;
	[sflag:s22] =	ssyncadd.s32 $0xFFFFE000  }
0x45: {  	[tilespmem:s17], [sflag:$0x1] =	stream.indirect.gather [hbm4b:s5+s16], $0x40, s24, s16, $0xb8;
	[tilespmem:$0x10600] =	vst v63  }
0x46: {  	s25 =	sadd.s32 $0x80, s24  }
0x47: {  	[tilespmem:s18], [sflag:$0x2] =	stream.indirect.gather [hbm4b:s5+s16], $0x40, s25, s16, $0xb8;
	[tilespmem:$0x10600] =	vst v63  }
0x48: {  	_ =	swait.ge [sflag:s19], $0x2000  }
0x49: {  	[sflag:s19] =	ssyncset.done $0x0  }
0x4a: {  	s31 =	sadd.s32 $0x1400, s24;
	[sflag:s19] =	ssyncadd.s32 $0xFFFFE000  }
0x4b: {  	[spmem:s3] =	stream.indirect.scatter.add.bf16 [tilespmem:s17], [sflag:$0x3], $0x40, s31, s16, $0xb8;
	[tilespmem:$0x10600] =	vst v63  }
0x4c: {  	_ =	swait.ge [sflag:s20], $0x2000  }
0x4d: {  	[sflag:s20] =	ssyncset.done $0x0  }
0x4e: {  	s23 =	sadd.s32 $0x1, s23;
	s24 =	sadd.s32 $0x1480, s24;
	[sflag:s20] =	ssyncadd.s32 $0xFFFFE000  }
0x4f: {  	[spmem:s3] =	stream.indirect.scatter.add.bf16 [tilespmem:s18], [sflag:$0x4], $0x40, s24, s16, $0xb8;
	[tilespmem:$0x10600] =	vst v63  }
0x50: {  	p0 =	sne.s32 s23, $0x4;
	_ =	swait.ge [sflag:s21], $0x2000  }
.Ltmp1:
0x51: {  	[sflag:s21] =	ssyncset.done $0x0;
	(pc) =	sbr.rel @p0 .LBB2_2-.Ltmp1, $4  }
0x52: {  	[sflag:s21] =	ssyncadd.s32 $0xFFFFE000  }
0x53: {  	_ =	swait.ge [sflag:s22], $0x2000  }
0x54: {  	[sflag:s22] =	ssyncset.done $0x0  }
0x55: {  	[sflag:s22] =	ssyncadd.s32 $0xFFFFE000  }
0x56: {  	s4 =	sadd.s32 $0x1, s4  }
0x57: {  	p0 =	sne.s32 s4, s12  }
.Ltmp2:
0x58: {  	[bflag:$0x0] =	sbarrier.arrive $0xFFFF;
	(pc) =	sbr.rel @p0 .LBB2_1-.Ltmp2, $4  }
0x59: {  	[hbm:s11], [sflag:s9] =	dma.local [spmem:s13], $0x13C0  }
0x5a: {  	_ =	swait.ge [sflag:s14], $0x13C0  }
0x5b: {  	[sflag:s14] =	ssyncset.done $0x0  }
0x5c: {  	[sflag:s14] =	ssyncadd.s32 $0xFFFFEC40  }
0x5d: {  	_ =	sfence.sel $0x180000  }
0x5e: {  	[bflag:$0x0] =	sbarrier.arrive $0xFFFF  }
0x5f: {  	p0 =	sne.s32 s1, $0x0;
	_ =	strace $0x9000004A  }
0x60: {  	s0 =	sadd.s32 @!p0 $0x100000, s0;
	[bflag:$0x2] =	sbarrier.arrive $0xFFFF  }
0x61: {  	[sflag:s0] =	ssyncadd.tile.s32 @!p0 $0x1;
	_ =	shalt  }
.Lfunc_end2:
_tile_overlayer_lowered:
.L_overlay_start_2:
0x62: {  	(tag) =	ssettag $0x2  }
0x63: {  	s0 =	rddreg [dreg:$0x0];
	s2 =	stileid.u32  }
0x64: {  	s1 =	rddreg [dreg:$0x1];
	p0 =	sne.s32 s2, $0x0  }
0x65: {  	s3 =	rddreg [dreg:$0x2];
	[bflag:$0x3] =	sbarrier.arrive $0xFFFF;
	s2 =	simm.s32 @!p0 $0x1C05  }
0x66: {  	[timem:s3], [sflag:s2] =	dma.local @!p0 [hbm:s0], s1  }
0x67: {  	s0 =	simm.s32 @!p0 $0x5  }
0x68: {  	_ =	swait.ge @!p0 [sflag:s0], s1  }
0x69: {  	s1 =	ssub.s32 @!p0 $0x0, s1;
	[sflag:s0] =	ssyncset.done @!p0 $0x0  }
0x6a: {  	[sflag:s0] =	ssyncadd.s32 @!p0 s1  }
0x6b: {  	[bflag:$0x3] =	sbarrier.arrive $0xFFFF  }
0x6c: {  	_ =	shalt  }

</sc_bundles>
